<compile_context>
chip_gen: v7x
topology: tpu7x:2x2x1
jax: 0.10.2.dev20260603
libtpu: 0.0.44.dev20260713+nightly
codegen_flags: <defaults>
</compile_context>

<pallas_src>
import jax
import jax.numpy as jnp
from jax import lax
from jax.experimental import pallas as pl
from jax.experimental.pallas import tpu as pltpu
from jax.experimental.pallas import tpu_sc as plsc

_N = 10000
_E = 320000
_H = 128
_G = 128

_NC = 2
_NS = 16
_NW = _NC * _NS
_CH = 128
_STEPS = -(-_E // (_NW * _CH))
_EPW = _CH * _STEPS
_EPAD = _NW * _EPW
_NPAD = 10240
_RPT = _NPAD // _NS
_ZCH = _RPT // _CH


def _fill_2d(ref, nrows, value):
    ncol = ref.shape[1] // 16
    vec = jnp.full((16,), value, jnp.float32)

    def row(i, _):
        def col(j, _):
            ref[i, pl.ds(j * 16, 16)] = vec
            return 0
        return lax.fori_loop(0, ncol, col, 0)

    lax.fori_loop(0, nrows, row, 0)


def _seg_body(p_hbm, src_hbm, dst_hbm, sout_hbm, src_v, dst_v, rows_v, acc,
              sem):
    c = lax.axis_index("c")
    s = lax.axis_index("s")
    wid = s * _NC + c
    row0 = s * _RPT

    _fill_2d(rows_v, _CH, 0.0)
    for k in range(_ZCH):
        pltpu.sync_copy(rows_v, acc.at[pl.ds(row0 + k * _CH, _CH)])
    plsc.subcore_barrier()

    ebase = wid * _EPW

    def step(i, _):
        off = ebase + i * _CH
        pltpu.sync_copy(src_hbm.at[pl.ds(off, _CH)], src_v)
        pltpu.sync_copy(dst_hbm.at[pl.ds(off, _CH)], dst_v)
        pltpu.async_copy(p_hbm.at[src_v], rows_v, sem).wait()
        pltpu.sync_copy(rows_v, acc.at[dst_v], add=True)
        return 0

    lax.fori_loop(0, _STEPS, step, 0)
    plsc.subcore_barrier()

    obase = c * _NPAD + row0
    pltpu.sync_copy(acc.at[pl.ds(row0, _RPT)], sout_hbm.at[pl.ds(obase, _RPT)])


_seg_sum = pl.kernel(
    _seg_body,
    out_type=jax.ShapeDtypeStruct((_NC * _NPAD, _H), jnp.float32),
    mesh=plsc.VectorSubcoreMesh(core_axis_name="c", subcore_axis_name="s"),
    scratch_types=[
        pltpu.VMEM((_CH,), jnp.int32),
        pltpu.VMEM((_CH,), jnp.int32),
        pltpu.VMEM((_CH, _H), jnp.float32),
        pltpu.VMEM_SHARED((_NPAD, _H), jnp.float32),
        pltpu.SemaphoreType.DMA,
    ],
    name="seg_sum",
)


def _cnt_body(dst_hbm, cout_hbm, dst_v, ones_v, acc, sem):
    c = lax.axis_index("c")
    s = lax.axis_index("s")
    wid = s * _NC + c
    row0 = s * _RPT

    _fill_2d(ones_v, _CH, 0.0)
    for k in range(_ZCH):
        pltpu.sync_copy(ones_v, acc.at[pl.ds(row0 + k * _CH, _CH)])
    _fill_2d(ones_v, _CH, 1.0)
    plsc.subcore_barrier()

    ebase = wid * _EPW

    def step(i, _):
        off = ebase + i * _CH
        pltpu.sync_copy(dst_hbm.at[pl.ds(off, _CH)], dst_v)
        pltpu.sync_copy(ones_v, acc.at[dst_v], add=True)
        return 0

    lax.fori_loop(0, _STEPS, step, 0)
    plsc.subcore_barrier()

    obase = c * _NPAD + row0
    pltpu.sync_copy(acc.at[pl.ds(row0, _RPT)], cout_hbm.at[pl.ds(obase, _RPT)])


_cnt_sum = pl.kernel(
    _cnt_body,
    out_type=jax.ShapeDtypeStruct((_NC * _NPAD, _H), jnp.float32),
    mesh=plsc.VectorSubcoreMesh(core_axis_name="c", subcore_axis_name="s"),
    scratch_types=[
        pltpu.VMEM((_CH,), jnp.int32),
        pltpu.VMEM((_CH, _H), jnp.float32),
        pltpu.VMEM_SHARED((_NPAD, _H), jnp.float32),
        pltpu.SemaphoreType.DMA,
    ],
    name="cnt_sum",
)


def _cnt_prep_body(c_ref, cl_ref):
    cnt = c_ref[0:_N, 0:1] + c_ref[_NPAD:_NPAD + _N, 0:1]
    cl_ref[...] = jnp.maximum(cnt, 1.0)


_tc_cnt_prep = pl.pallas_call(
    _cnt_prep_body,
    out_shape=jax.ShapeDtypeStruct((_N, 1), jnp.float32),
)


def _sage_bn_relu(s_ref, cnt_ref, x_ref, wl_ref, bl_ref, wr_ref, g_ref,
                  be_ref):
    s = s_ref[0:_N, :] + s_ref[_NPAD:_NPAD + _N, :]
    agg = s / cnt_ref[...]
    z = (jnp.dot(agg, wl_ref[...]) + bl_ref[...]
         + jnp.dot(x_ref[...], wr_ref[...]))
    m = jnp.mean(z, axis=0, keepdims=True)
    v = jnp.mean((z - m) * (z - m), axis=0, keepdims=True)
    return jnp.maximum((z - m) / jnp.sqrt(v + 1e-5) * g_ref[...]
                       + be_ref[...], 0.0)


def _layer_body(s_ref, cnt_ref, x_ref, wl_ref, bl_ref, wr_ref, g_ref, be_ref,
                h_ref):
    h_ref[...] = _sage_bn_relu(s_ref, cnt_ref, x_ref, wl_ref, bl_ref, wr_ref,
                               g_ref, be_ref)


_tc_layer = pl.pallas_call(
    _layer_body,
    out_shape=jax.ShapeDtypeStruct((_N, _H), jnp.float32),
)


def _fin_body(s_ref, cnt_ref, x_ref, wl_ref, bl_ref, wr_ref, g_ref, be_ref,
              b_ref, wh1_ref, bh1_ref, wh2_ref, bh2_ref, o_ref):
    h = _sage_bn_relu(s_ref, cnt_ref, x_ref, wl_ref, bl_ref, wr_ref, g_ref,
                      be_ref)
    onehot = (b_ref[...] == lax.broadcasted_iota(jnp.int32, (1, _G), 1)
              ).astype(jnp.float32)
    hg_sum = lax.dot_general(onehot, h, (((0,), (0,)), ((), ())),
                             preferred_element_type=jnp.float32,
                             precision=lax.Precision.HIGHEST)
    cg = jnp.sum(onehot, axis=0)[:, None]
    hg = hg_sum / jnp.maximum(cg, 1.0)
    t = jnp.maximum(jnp.dot(hg, wh1_ref[...]) + bh1_ref[...], 0.0)
    o_ref[...] = jnp.dot(t, wh2_ref[...]) + bh2_ref[...]


_tc_fin = pl.pallas_call(
    _fin_body,
    out_shape=jax.ShapeDtypeStruct((_G, 1), jnp.float32),
)


def kernel(x, edge_index, batch, Wl0, bl0, Wr0, g0, be0, Wl1, bl1, Wr1, g1,
           be1, Wl2, bl2, Wr2, g2, be2, Wh1, bh1, Wh2, bh2):
    pad = _EPAD - _E
    src = jnp.concatenate([edge_index[0], jnp.zeros((pad,), jnp.int32)])
    dst = jnp.concatenate([edge_index[1], jnp.full((pad,), _N, jnp.int32)])
    b2 = batch.reshape(_N, 1)
    bl0r = bl0.reshape(1, _H)
    bl1r = bl1.reshape(1, _H)
    bl2r = bl2.reshape(1, _H)
    g0r, be0r = g0.reshape(1, _H), be0.reshape(1, _H)
    g1r, be1r = g1.reshape(1, _H), be1.reshape(1, _H)
    g2r, be2r = g2.reshape(1, _H), be2.reshape(1, _H)
    bh1r = bh1.reshape(1, _H // 2)
    bh2r = bh2.reshape(1, 1)

    craw = _cnt_sum(dst)
    cntc = _tc_cnt_prep(craw)
    s0 = _seg_sum(x, src, dst)
    h1 = _tc_layer(s0, cntc, x, Wl0, bl0r, Wr0, g0r, be0r)
    s1 = _seg_sum(h1, src, dst)
    h2 = _tc_layer(s1, cntc, h1, Wl1, bl1r, Wr1, g1r, be1r)
    s2 = _seg_sum(h2, src, dst)
    out = _tc_fin(s2, cntc, h2, Wl2, bl2r, Wr2, g2r, be2r, b2, Wh1, bh1r,
                  Wh2, bh2r)
    return out

# --- scband reference (transcript-rebuilt; emitter-appended) ---
"""Pipeline reference for scband-baseline-gnn-34565896798973 (READ-ONLY COPY).

The authoritative reference and input builder live on the scoring server;
editing this copy changes nothing except your own understanding.
"""

import jax, jax.numpy as jnp
import numpy as np

N = 10000
E = 320000
D = 128
H = 128
G = 128


def setup_inputs(seed: int = 0) -> dict:
    key = jax.random.key(seed)
    ks = jax.random.split(key, 32)
    inp = {}
    inp['x'] = jax.random.normal(ks[0], (N, D), dtype=jnp.float32)
    inp['edge_index'] = jax.random.randint(ks[1], (2, E), 0, N, dtype=jnp.int32)
    inp['batch'] = jnp.sort(jax.random.randint(ks[2], (N,), 0, G, dtype=jnp.int32))
    dims_in = [D, H, H]
    ki = 3
    for i, din in enumerate(dims_in):
        s = 1.0 / np.sqrt(din)
        inp[f'Wl{i}'] = jax.random.normal(ks[ki], (din, H), dtype=jnp.float32) * s; ki += 1
        inp[f'bl{i}'] = jnp.zeros((H,), dtype=jnp.float32)
        inp[f'Wr{i}'] = jax.random.normal(ks[ki], (din, H), dtype=jnp.float32) * s; ki += 1
        inp[f'g{i}'] = jnp.ones((H,), dtype=jnp.float32)
        inp[f'be{i}'] = jnp.zeros((H,), dtype=jnp.float32)
    inp['Wh1'] = jax.random.normal(ks[ki], (H, H // 2), dtype=jnp.float32) * (1.0 / np.sqrt(H)); ki += 1
    inp['bh1'] = jnp.zeros((H // 2,), dtype=jnp.float32)
    inp['Wh2'] = jax.random.normal(ks[ki], (H // 2, 1), dtype=jnp.float32) * (1.0 / np.sqrt(H // 2)); ki += 1
    inp['bh2'] = jnp.zeros((1,), dtype=jnp.float32)
    return inp


def _sage(x, src, dst, Wl, bl, Wr):
    # PyG SAGEConv (aggr='mean'): lin_l(mean_j x_j) + lin_r(x_i)
    agg = jax.ops.segment_sum(x[src], dst, num_segments=N)
    cnt = jax.ops.segment_sum(jnp.ones((E,), jnp.float32), dst, num_segments=N)
    agg = agg / jnp.clip(cnt, 1.0)[:, None]
    return agg @ Wl + bl + x @ Wr


def _bn(x, g, b):
    m = jnp.mean(x, axis=0)
    v = jnp.var(x, axis=0)
    return (x - m) / jnp.sqrt(v + 1e-5) * g + b


def reference(x, edge_index, batch, Wl0, bl0, Wr0, g0, be0, Wl1, bl1, Wr1, g1, be1, Wl2, bl2, Wr2, g2, be2, Wh1, bh1, Wh2, bh2):
    src, dst = edge_index[0], edge_index[1]
    layers = [(Wl0, bl0, Wr0, g0, be0), (Wl1, bl1, Wr1, g1, be1), (Wl2, bl2, Wr2, g2, be2)]
    h = x
    for Wl, bl, Wr, g, b in layers:
        h = _sage(h, src, dst, Wl, bl, Wr)
        h = _bn(h, g, b)
        h = jax.nn.relu(h)
    s = jax.ops.segment_sum(h, batch, num_segments=G)
    c = jax.ops.segment_sum(jnp.ones((N,), jnp.float32), batch, num_segments=G)
    hg = s / jnp.clip(c, 1.0)[:, None]
    out = jax.nn.relu(hg @ Wh1 + bh1) @ Wh2 + bh2
    return out

if __name__ == "__main__":
    import jax
    _d = setup_inputs()
    print(jax.jit(kernel)(*tuple(_d.values())))

</pallas_src>

<mosaic_0001>
#map = affine_map<(d0, d1) -> (0)>
#map1 = affine_map<(d0, d1) -> (0, 0)>
module attributes {stable_mosaic.version = 14 : i64} {
  func.func @cnt_sum(%arg0: i32, %arg1: i32, %arg2: memref<323584xi32, #tpu.memory_space<hbm>>, %arg3: memref<20480x128xf32, #tpu.memory_space<hbm>>, %arg4: memref<128xi32, #tpu.memory_space<vmem>>, %arg5: memref<128x128xf32, #tpu.memory_space<vmem>>, %arg6: memref<10240x128xf32, #tpu.memory_space<vmem_shared>>, %arg7: memref<!tpu.dma_semaphore, #tpu.memory_space<semaphore_mem>>) attributes {dimension_semantics = [#tpu.dimension_semantics<core_parallel>, #tpu.dimension_semantics<subcore_parallel>], iteration_bounds = array<i64: 2, 16>, scalar_prefetch = 0 : i64, scratch_operands = 4 : i64, tpu.core_type = #tpu.core_type<sc_vector_subcore>, window_params = [{transform_indices = #map}, {transform_indices = #map1}]} {
    %mul3A = arith.constant 2 : i32
    %mul3A_0 = arith.muli %arg1, %mul3A : i32
    %add3A = arith.addi %mul3A_0, %arg0 : i32
    %mul3A_1 = arith.constant 640 : i32
    %mul3A_2 = arith.muli %arg1, %mul3A_1 : i32
    %broadcast_in_dim3A = arith.constant 0.000000e+00 : f32
    %broadcast_in_dim3A_3 = vector.broadcast %broadcast_in_dim3A : f32 to vector<16xf32>
    %scan3A = arith.constant 0 : i32
    %scan3A_4 = arith.constant 0 : i32
    %scan3A_5 = arith.constant 128 : i32
    %scan3A_6 = arith.addi %scan3A_4, %scan3A_5 : i32
    %scan3A_7 = arith.constant 1 : i32
    %scan3A_8 = scf.for %scan3A_42 = %scan3A_4 to %scan3A_6 step %scan3A_7 iter_args(%scan3A_43 = %scan3A) -> (i32)  : i32 {
      %scan3A_44 = arith.constant 0 : i32
      %scan3A_45 = arith.constant 0 : i32
      %scan3A_46 = arith.constant 8 : i32
      %scan3A_47 = arith.addi %scan3A_45, %scan3A_46 : i32
      %scan3A_48 = arith.constant 1 : i32
      %scan3A_49 = scf.for %scan3A_51 = %scan3A_45 to %scan3A_47 step %scan3A_48 iter_args(%scan3A_52 = %scan3A_44) -> (i32)  : i32 {
        %mul3A_53 = arith.constant 16 : i32
        %mul3A_54 = arith.muli %scan3A_51, %mul3A_53 : i32
        %swap3A = arith.index_cast %scan3A_42 : i32 to index
        %swap3A_55 = arith.index_cast %mul3A_54 : i32 to index
        %swap3A_56 = tpu.vector_load %arg5[%swap3A, %swap3A_55] {strides = array<i32>} : memref<128x128xf32, #tpu.memory_space<vmem>>, vector<1x16xf32>,
        %swap3A_57 = vector.shape_cast %swap3A_56 : vector<1x16xf32> to vector<16xf32>
        %swap3A_58 = vector.shape_cast %broadcast_in_dim3A_3 : vector<16xf32> to vector<1x16xf32>
        tpu.vector_store %arg5[%swap3A, %swap3A_55], %swap3A_58 {strides = array<i32>} : memref<128x128xf32, #tpu.memory_space<vmem>>, vector<1x16xf32>,
        %scan3A_59 = arith.constant 0 : i32
        scf.yield %scan3A_59 : i32
      }
      %scan3A_50 = arith.constant 8 : i32
      scf.yield %scan3A_49 : i32
    }
    %scan3A_9 = arith.constant 128 : i32
    %add3A_10 = arith.constant 0 : i32
    %add3A_11 = arith.addi %mul3A_2, %add3A_10 : i32
    "tpu.region"() ({
      %run_scoped3A = tpu.sem_alloc : memref<!tpu.dma_semaphore, #tpu.memory_space<semaphore_mem>>
      %dma_start3A = arith.constant 0 : i32
      %dma_start3A_42 = tpu.memref_slice %arg6[%add3A_11, %dma_start3A] : memref<10240x128xf32, #tpu.memory_space<vmem_shared>> -> memref<128x128xf32, #tpu.memory_space<vmem_shared>>
      %dma_start3A_43 = arith.constant 0 : i32
      %dma_start3A_44 = tpu.memref_slice %arg6[%add3A_11, %dma_start3A_43] : memref<10240x128xf32, #tpu.memory_space<vmem_shared>> -> memref<128x128xf32, #tpu.memory_space<vmem_shared>>
      tpu.enqueue_dma source(%arg5 : memref<128x128xf32, #tpu.memory_space<vmem>>) target(%dma_start3A_44 : memref<128x128xf32, #tpu.memory_space<vmem_shared>>) target_semaphore(%run_scoped3A : memref<!tpu.dma_semaphore, #tpu.memory_space<semaphore_mem>>)
      %dma_wait3A = arith.constant 0 : i32
      %dma_wait3A_45 = tpu.memref_slice %arg6[%add3A_11, %dma_wait3A] : memref<10240x128xf32, #tpu.memory_space<vmem_shared>> -> memref<128x128xf32, #tpu.memory_space<vmem_shared>>
      %dma_wait3A_46 = arith.constant 0 : i32
      %dma_wait3A_47 = tpu.memref_slice %arg6[%add3A_11, %dma_wait3A_46] : memref<10240x128xf32, #tpu.memory_space<vmem_shared>> -> memref<128x128xf32, #tpu.memory_space<vmem_shared>>
      tpu.wait_dma2 semaphore(%run_scoped3A : memref<!tpu.dma_semaphore, #tpu.memory_space<semaphore_mem>>) src(%arg5 : memref<128x128xf32, #tpu.memory_space<vmem>>) dst(%dma_wait3A_47 : memref<128x128xf32, #tpu.memory_space<vmem_shared>>)
      tpu.yield
    }) : () -> ()
    %add3A_12 = arith.constant 128 : i32
    %add3A_13 = arith.addi %mul3A_2, %add3A_12 : i32
    "tpu.region"() ({
      %run_scoped3A = tpu.sem_alloc : memref<!tpu.dma_semaphore, #tpu.memory_space<semaphore_mem>>
      %dma_start3A = arith.constant 0 : i32
      %dma_start3A_42 = tpu.memref_slice %arg6[%add3A_13, %dma_start3A] : memref<10240x128xf32, #tpu.memory_space<vmem_shared>> -> memref<128x128xf32, #tpu.memory_space<vmem_shared>>
      %dma_start3A_43 = arith.constant 0 : i32
      %dma_start3A_44 = tpu.memref_slice %arg6[%add3A_13, %dma_start3A_43] : memref<10240x128xf32, #tpu.memory_space<vmem_shared>> -> memref<128x128xf32, #tpu.memory_space<vmem_shared>>
      tpu.enqueue_dma source(%arg5 : memref<128x128xf32, #tpu.memory_space<vmem>>) target(%dma_start3A_44 : memref<128x128xf32, #tpu.memory_space<vmem_shared>>) target_semaphore(%run_scoped3A : memref<!tpu.dma_semaphore, #tpu.memory_space<semaphore_mem>>)
      %dma_wait3A = arith.constant 0 : i32
      %dma_wait3A_45 = tpu.memref_slice %arg6[%add3A_13, %dma_wait3A] : memref<10240x128xf32, #tpu.memory_space<vmem_shared>> -> memref<128x128xf32, #tpu.memory_space<vmem_shared>>
      %dma_wait3A_46 = arith.constant 0 : i32
      %dma_wait3A_47 = tpu.memref_slice %arg6[%add3A_13, %dma_wait3A_46] : memref<10240x128xf32, #tpu.memory_space<vmem_shared>> -> memref<128x128xf32, #tpu.memory_space<vmem_shared>>
      tpu.wait_dma2 semaphore(%run_scoped3A : memref<!tpu.dma_semaphore, #tpu.memory_space<semaphore_mem>>) src(%arg5 : memref<128x128xf32, #tpu.memory_space<vmem>>) dst(%dma_wait3A_47 : memref<128x128xf32, #tpu.memory_space<vmem_shared>>)
      tpu.yield
    }) : () -> ()
    %add3A_14 = arith.constant 256 : i32
    %add3A_15 = arith.addi %mul3A_2, %add3A_14 : i32
    "tpu.region"() ({
      %run_scoped3A = tpu.sem_alloc : memref<!tpu.dma_semaphore, #tpu.memory_space<semaphore_mem>>
      %dma_start3A = arith.constant 0 : i32
      %dma_start3A_42 = tpu.memref_slice %arg6[%add3A_15, %dma_start3A] : memref<10240x128xf32, #tpu.memory_space<vmem_shared>> -> memref<128x128xf32, #tpu.memory_space<vmem_shared>>
      %dma_start3A_43 = arith.constant 0 : i32
      %dma_start3A_44 = tpu.memref_slice %arg6[%add3A_15, %dma_start3A_43] : memref<10240x128xf32, #tpu.memory_space<vmem_shared>> -> memref<128x128xf32, #tpu.memory_space<vmem_shared>>
      tpu.enqueue_dma source(%arg5 : memref<128x128xf32, #tpu.memory_space<vmem>>) target(%dma_start3A_44 : memref<128x128xf32, #tpu.memory_space<vmem_shared>>) target_semaphore(%run_scoped3A : memref<!tpu.dma_semaphore, #tpu.memory_space<semaphore_mem>>)
      %dma_wait3A = arith.constant 0 : i32
      %dma_wait3A_45 = tpu.memref_slice %arg6[%add3A_15, %dma_wait3A] : memref<10240x128xf32, #tpu.memory_space<vmem_shared>> -> memref<128x128xf32, #tpu.memory_space<vmem_shared>>
      %dma_wait3A_46 = arith.constant 0 : i32
      %dma_wait3A_47 = tpu.memref_slice %arg6[%add3A_15, %dma_wait3A_46] : memref<10240x128xf32, #tpu.memory_space<vmem_shared>> -> memref<128x128xf32, #tpu.memory_space<vmem_shared>>
      tpu.wait_dma2 semaphore(%run_scoped3A : memref<!tpu.dma_semaphore, #tpu.memory_space<semaphore_mem>>) src(%arg5 : memref<128x128xf32, #tpu.memory_space<vmem>>) dst(%dma_wait3A_47 : memref<128x128xf32, #tpu.memory_space<vmem_shared>>)
      tpu.yield
    }) : () -> ()
    %add3A_16 = arith.constant 384 : i32
    %add3A_17 = arith.addi %mul3A_2, %add3A_16 : i32
    "tpu.region"() ({
      %run_scoped3A = tpu.sem_alloc : memref<!tpu.dma_semaphore, #tpu.memory_space<semaphore_mem>>
      %dma_start3A = arith.constant 0 : i32
      %dma_start3A_42 = tpu.memref_slice %arg6[%add3A_17, %dma_start3A] : memref<10240x128xf32, #tpu.memory_space<vmem_shared>> -> memref<128x128xf32, #tpu.memory_space<vmem_shared>>
      %dma_start3A_43 = arith.constant 0 : i32
      %dma_start3A_44 = tpu.memref_slice %arg6[%add3A_17, %dma_start3A_43] : memref<10240x128xf32, #tpu.memory_space<vmem_shared>> -> memref<128x128xf32, #tpu.memory_space<vmem_shared>>
      tpu.enqueue_dma source(%arg5 : memref<128x128xf32, #tpu.memory_space<vmem>>) target(%dma_start3A_44 : memref<128x128xf32, #tpu.memory_space<vmem_shared>>) target_semaphore(%run_scoped3A : memref<!tpu.dma_semaphore, #tpu.memory_space<semaphore_mem>>)
      %dma_wait3A = arith.constant 0 : i32
      %dma_wait3A_45 = tpu.memref_slice %arg6[%add3A_17, %dma_wait3A] : memref<10240x128xf32, #tpu.memory_space<vmem_shared>> -> memref<128x128xf32, #tpu.memory_space<vmem_shared>>
      %dma_wait3A_46 = arith.constant 0 : i32
      %dma_wait3A_47 = tpu.memref_slice %arg6[%add3A_17, %dma_wait3A_46] : memref<10240x128xf32, #tpu.memory_space<vmem_shared>> -> memref<128x128xf32, #tpu.memory_space<vmem_shared>>
      tpu.wait_dma2 semaphore(%run_scoped3A : memref<!tpu.dma_semaphore, #tpu.memory_space<semaphore_mem>>) src(%arg5 : memref<128x128xf32, #tpu.memory_space<vmem>>) dst(%dma_wait3A_47 : memref<128x128xf32, #tpu.memory_space<vmem_shared>>)
      tpu.yield
    }) : () -> ()
    %add3A_18 = arith.constant 512 : i32
    %add3A_19 = arith.addi %mul3A_2, %add3A_18 : i32
    "tpu.region"() ({
      %run_scoped3A = tpu.sem_alloc : memref<!tpu.dma_semaphore, #tpu.memory_space<semaphore_mem>>
      %dma_start3A = arith.constant 0 : i32
      %dma_start3A_42 = tpu.memref_slice %arg6[%add3A_19, %dma_start3A] : memref<10240x128xf32, #tpu.memory_space<vmem_shared>> -> memref<128x128xf32, #tpu.memory_space<vmem_shared>>
      %dma_start3A_43 = arith.constant 0 : i32
      %dma_start3A_44 = tpu.memref_slice %arg6[%add3A_19, %dma_start3A_43] : memref<10240x128xf32, #tpu.memory_space<vmem_shared>> -> memref<128x128xf32, #tpu.memory_space<vmem_shared>>
      tpu.enqueue_dma source(%arg5 : memref<128x128xf32, #tpu.memory_space<vmem>>) target(%dma_start3A_44 : memref<128x128xf32, #tpu.memory_space<vmem_shared>>) target_semaphore(%run_scoped3A : memref<!tpu.dma_semaphore, #tpu.memory_space<semaphore_mem>>)
      %dma_wait3A = arith.constant 0 : i32
      %dma_wait3A_45 = tpu.memref_slice %arg6[%add3A_19, %dma_wait3A] : memref<10240x128xf32, #tpu.memory_space<vmem_shared>> -> memref<128x128xf32, #tpu.memory_space<vmem_shared>>
      %dma_wait3A_46 = arith.constant 0 : i32
      %dma_wait3A_47 = tpu.memref_slice %arg6[%add3A_19, %dma_wait3A_46] : memref<10240x128xf32, #tpu.memory_space<vmem_shared>> -> memref<128x128xf32, #tpu.memory_space<vmem_shared>>
      tpu.wait_dma2 semaphore(%run_scoped3A : memref<!tpu.dma_semaphore, #tpu.memory_space<semaphore_mem>>) src(%arg5 : memref<128x128xf32, #tpu.memory_space<vmem>>) dst(%dma_wait3A_47 : memref<128x128xf32, #tpu.memory_space<vmem_shared>>)
      tpu.yield
    }) : () -> ()
    %broadcast_in_dim3A_20 = arith.constant 1.000000e+00 : f32
    %broadcast_in_dim3A_21 = vector.broadcast %broadcast_in_dim3A_20 : f32 to vector<16xf32>
    %scan3A_22 = arith.constant 0 : i32
    %scan3A_23 = arith.constant 0 : i32
    %scan3A_24 = arith.constant 128 : i32
    %scan3A_25 = arith.addi %scan3A_23, %scan3A_24 : i32
    %scan3A_26 = arith.constant 1 : i32
    %scan3A_27 = scf.for %scan3A_42 = %scan3A_23 to %scan3A_25 step %scan3A_26 iter_args(%scan3A_43 = %scan3A_22) -> (i32)  : i32 {
      %scan3A_44 = arith.constant 0 : i32
      %scan3A_45 = arith.constant 0 : i32
      %scan3A_46 = arith.constant 8 : i32
      %scan3A_47 = arith.addi %scan3A_45, %scan3A_46 : i32
      %scan3A_48 = arith.constant 1 : i32
      %scan3A_49 = scf.for %scan3A_51 = %scan3A_45 to %scan3A_47 step %scan3A_48 iter_args(%scan3A_52 = %scan3A_44) -> (i32)  : i32 {
        %mul3A_53 = arith.constant 16 : i32
        %mul3A_54 = arith.muli %scan3A_51, %mul3A_53 : i32
        %swap3A = arith.index_cast %scan3A_42 : i32 to index
        %swap3A_55 = arith.index_cast %mul3A_54 : i32 to index
        %swap3A_56 = tpu.vector_load %arg5[%swap3A, %swap3A_55] {strides = array<i32>} : memref<128x128xf32, #tpu.memory_space<vmem>>, vector<1x16xf32>,
        %swap3A_57 = vector.shape_cast %swap3A_56 : vector<1x16xf32> to vector<16xf32>
        %swap3A_58 = vector.shape_cast %broadcast_in_dim3A_21 : vector<16xf32> to vector<1x16xf32>
        tpu.vector_store %arg5[%swap3A, %swap3A_55], %swap3A_58 {strides = array<i32>} : memref<128x128xf32, #tpu.memory_space<vmem>>, vector<1x16xf32>,
        %scan3A_59 = arith.constant 0 : i32
        scf.yield %scan3A_59 : i32
      }
      %scan3A_50 = arith.constant 8 : i32
      scf.yield %scan3A_49 : i32
    }
    %scan3A_28 = arith.constant 128 : i32
    %barrier3A = arith.constant 0 : index
    tpu.barrier barrier_id(%barrier3A)
    %mul3A_29 = arith.constant 10112 : i32
    %mul3A_30 = arith.muli %add3A, %mul3A_29 : i32
    %scan3A_31 = arith.constant 0 : i32
    %scan3A_32 = arith.constant 0 : i32
    %scan3A_33 = arith.constant 79 : i32
    %scan3A_34 = arith.addi %scan3A_32, %scan3A_33 : i32
    %scan3A_35 = arith.constant 1 : i32
    %scan3A_36 = scf.for %scan3A_42 = %scan3A_32 to %scan3A_34 step %scan3A_35 iter_args(%scan3A_43 = %scan3A_31) -> (i32)  : i32 {
      %mul3A_44 = arith.constant 128 : i32
      %mul3A_45 = arith.muli %scan3A_42, %mul3A_44 : i32
      %add3A_46 = arith.addi %mul3A_30, %mul3A_45 : i32
      "tpu.region"() ({
        %run_scoped3A = tpu.sem_alloc : memref<!tpu.dma_semaphore, #tpu.memory_space<semaphore_mem>>
        %dma_start3A = tpu.memref_slice %arg2[%add3A_46] : memref<323584xi32, #tpu.memory_space<hbm>> -> memref<128xi32, #tpu.memory_space<hbm>>
        %dma_start3A_48 = tpu.memref_slice %arg2[%add3A_46] : memref<323584xi32, #tpu.memory_space<hbm>> -> memref<128xi32, #tpu.memory_space<hbm>>
        tpu.enqueue_dma source(%dma_start3A_48 : memref<128xi32, #tpu.memory_space<hbm>>) target(%arg4 : memref<128xi32, #tpu.memory_space<vmem>>) target_semaphore(%run_scoped3A : memref<!tpu.dma_semaphore, #tpu.memory_space<semaphore_mem>>)
        %dma_wait3A = tpu.memref_slice %arg2[%add3A_46] : memref<323584xi32, #tpu.memory_space<hbm>> -> memref<128xi32, #tpu.memory_space<hbm>>
        %dma_wait3A_49 = tpu.memref_slice %arg2[%add3A_46] : memref<323584xi32, #tpu.memory_space<hbm>> -> memref<128xi32, #tpu.memory_space<hbm>>
        tpu.wait_dma2 semaphore(%run_scoped3A : memref<!tpu.dma_semaphore, #tpu.memory_space<semaphore_mem>>) src(%dma_wait3A_49 : memref<128xi32, #tpu.memory_space<hbm>>) dst(%arg4 : memref<128xi32, #tpu.memory_space<vmem>>)
        tpu.yield
      }) : () -> ()
      "tpu.region"() ({
        %run_scoped3A = tpu.sem_alloc : memref<!tpu.dma_semaphore, #tpu.memory_space<semaphore_mem>>
        %dma_start3A = arith.constant 0 : i32
        %dma_start3A_48 = arith.constant 0 : i32
        %dma_start3A_49 = tpu.memref_slice %arg6[%dma_start3A, %dma_start3A_48] : memref<10240x128xf32, #tpu.memory_space<vmem_shared>> -> memref<10240x128xf32, #tpu.memory_space<vmem_shared>>
        tpu.enqueue_indirect_dma source(%arg5 : memref<128x128xf32, #tpu.memory_space<vmem>>) target(%dma_start3A_49 : memref<10240x128xf32, #tpu.memory_space<vmem_shared>>) offsets(%arg4 : memref<128xi32, #tpu.memory_space<vmem>>) semaphore(%run_scoped3A : memref<!tpu.dma_semaphore, #tpu.memory_space<semaphore_mem>>) {add = true}
        %dma_wait3A = arith.constant 0 : i32
        %dma_wait3A_50 = arith.constant 0 : i32
        %dma_wait3A_51 = tpu.memref_slice %arg6[%dma_wait3A, %dma_wait3A_50] : memref<10240x128xf32, #tpu.memory_space<vmem_shared>> -> memref<10240x128xf32, #tpu.memory_space<vmem_shared>>
        tpu.wait_indirect_dma semaphore(%run_scoped3A : memref<!tpu.dma_semaphore, #tpu.memory_space<semaphore_mem>>) src(%arg5 : memref<128x128xf32, #tpu.memory_space<vmem>>) dst(%dma_wait3A_51 : memref<10240x128xf32, #tpu.memory_space<vmem_shared>>)
        tpu.yield
      }) : () -> ()
      %scan3A_47 = arith.constant 0 : i32
      scf.yield %scan3A_47 : i32
    }
    %scan3A_37 = arith.constant 79 : i32
    %barrier3A_38 = arith.constant 0 : index
    tpu.barrier barrier_id(%barrier3A_38)
    %mul3A_39 = arith.constant 10240 : i32
    %mul3A_40 = arith.muli %arg0, %mul3A_39 : i32
    %add3A_41 = arith.addi %mul3A_40, %mul3A_2 : i32
    "tpu.region"() ({
      %run_scoped3A = tpu.sem_alloc : memref<!tpu.dma_semaphore, #tpu.memory_space<semaphore_mem>>
      %dma_start3A = arith.constant 0 : i32
      %dma_start3A_42 = tpu.memref_slice %arg3[%add3A_41, %dma_start3A] : memref<20480x128xf32, #tpu.memory_space<hbm>> -> memref<640x128xf32, #tpu.memory_space<hbm>>
      %dma_start3A_43 = arith.constant 0 : i32
      %dma_start3A_44 = tpu.memref_slice %arg6[%mul3A_2, %dma_start3A_43] : memref<10240x128xf32, #tpu.memory_space<vmem_shared>> -> memref<640x128xf32, #tpu.memory_space<vmem_shared>>
      tpu.enqueue_dma source(%dma_start3A_44 : memref<640x128xf32, #tpu.memory_space<vmem_shared>>) target(%dma_start3A_42 : memref<640x128xf32, #tpu.memory_space<hbm>>) target_semaphore(%run_scoped3A : memref<!tpu.dma_semaphore, #tpu.memory_space<semaphore_mem>>)
      %dma_wait3A = arith.constant 0 : i32
      %dma_wait3A_45 = tpu.memref_slice %arg3[%add3A_41, %dma_wait3A] : memref<20480x128xf32, #tpu.memory_space<hbm>> -> memref<640x128xf32, #tpu.memory_space<hbm>>
      %dma_wait3A_46 = arith.constant 0 : i32
      %dma_wait3A_47 = tpu.memref_slice %arg6[%mul3A_2, %dma_wait3A_46] : memref<10240x128xf32, #tpu.memory_space<vmem_shared>> -> memref<640x128xf32, #tpu.memory_space<vmem_shared>>
      tpu.wait_dma2 semaphore(%run_scoped3A : memref<!tpu.dma_semaphore, #tpu.memory_space<semaphore_mem>>) src(%dma_wait3A_47 : memref<640x128xf32, #tpu.memory_space<vmem_shared>>) dst(%dma_wait3A_45 : memref<640x128xf32, #tpu.memory_space<hbm>>)
      tpu.yield
    }) : () -> ()
    return
  }
}

#map = affine_map<(d0, d1) -> (0, 0)>
#map1 = affine_map<(d0, d1) -> (0)>
module attributes {stable_mosaic.version = 14 : i64} {
  func.func @seg_sum(%arg0: i32, %arg1: i32, %arg2: memref<10000x128xf32, #tpu.memory_space<hbm>>, %arg3: memref<323584xi32, #tpu.memory_space<hbm>>, %arg4: memref<323584xi32, #tpu.memory_space<hbm>>, %arg5: memref<20480x128xf32, #tpu.memory_space<hbm>>, %arg6: memref<128xi32, #tpu.memory_space<vmem>>, %arg7: memref<128xi32, #tpu.memory_space<vmem>>, %arg8: memref<128x128xf32, #tpu.memory_space<vmem>>, %arg9: memref<10240x128xf32, #tpu.memory_space<vmem_shared>>, %arg10: memref<!tpu.dma_semaphore, #tpu.memory_space<semaphore_mem>>) attributes {dimension_semantics = [#tpu.dimension_semantics<core_parallel>, #tpu.dimension_semantics<subcore_parallel>], iteration_bounds = array<i64: 2, 16>, scalar_prefetch = 0 : i64, scratch_operands = 5 : i64, tpu.core_type = #tpu.core_type<sc_vector_subcore>, window_params = [{transform_indices = #map}, {transform_indices = #map1}, {transform_indices = #map1}, {transform_indices = #map}]} {
    %mul3A = arith.constant 2 : i32
    %mul3A_0 = arith.muli %arg1, %mul3A : i32
    %add3A = arith.addi %mul3A_0, %arg0 : i32
    %mul3A_1 = arith.constant 640 : i32
    %mul3A_2 = arith.muli %arg1, %mul3A_1 : i32
    %broadcast_in_dim3A = arith.constant 0.000000e+00 : f32
    %broadcast_in_dim3A_3 = vector.broadcast %broadcast_in_dim3A : f32 to vector<16xf32>
    %scan3A = arith.constant 0 : i32
    %scan3A_4 = arith.constant 0 : i32
    %scan3A_5 = arith.constant 128 : i32
    %scan3A_6 = arith.addi %scan3A_4, %scan3A_5 : i32
    %scan3A_7 = arith.constant 1 : i32
    %scan3A_8 = scf.for %scan3A_33 = %scan3A_4 to %scan3A_6 step %scan3A_7 iter_args(%scan3A_34 = %scan3A) -> (i32)  : i32 {
      %scan3A_35 = arith.constant 0 : i32
      %scan3A_36 = arith.constant 0 : i32
      %scan3A_37 = arith.constant 8 : i32
      %scan3A_38 = arith.addi %scan3A_36, %scan3A_37 : i32
      %scan3A_39 = arith.constant 1 : i32
      %scan3A_40 = scf.for %scan3A_42 = %scan3A_36 to %scan3A_38 step %scan3A_39 iter_args(%scan3A_43 = %scan3A_35) -> (i32)  : i32 {
        %mul3A_44 = arith.constant 16 : i32
        %mul3A_45 = arith.muli %scan3A_42, %mul3A_44 : i32
        %swap3A = arith.index_cast %scan3A_33 : i32 to index
        %swap3A_46 = arith.index_cast %mul3A_45 : i32 to index
        %swap3A_47 = tpu.vector_load %arg8[%swap3A, %swap3A_46] {strides = array<i32>} : memref<128x128xf32, #tpu.memory_space<vmem>>, vector<1x16xf32>,
        %swap3A_48 = vector.shape_cast %swap3A_47 : vector<1x16xf32> to vector<16xf32>
        %swap3A_49 = vector.shape_cast %broadcast_in_dim3A_3 : vector<16xf32> to vector<1x16xf32>
        tpu.vector_store %arg8[%swap3A, %swap3A_46], %swap3A_49 {strides = array<i32>} : memref<128x128xf32, #tpu.memory_space<vmem>>, vector<1x16xf32>,
        %scan3A_50 = arith.constant 0 : i32
        scf.yield %scan3A_50 : i32
      }
      %scan3A_41 = arith.constant 8 : i32
      scf.yield %scan3A_40 : i32
    }
    %scan3A_9 = arith.constant 128 : i32
    %add3A_10 = arith.constant 0 : i32
    %add3A_11 = arith.addi %mul3A_2, %add3A_10 : i32
    "tpu.region"() ({
      %run_scoped3A = tpu.sem_alloc : memref<!tpu.dma_semaphore, #tpu.memory_space<semaphore_mem>>
      %dma_start3A = arith.constant 0 : i32
      %dma_start3A_33 = tpu.memref_slice %arg9[%add3A_11, %dma_start3A] : memref<10240x128xf32, #tpu.memory_space<vmem_shared>> -> memref<128x128xf32, #tpu.memory_space<vmem_shared>>
      %dma_start3A_34 = arith.constant 0 : i32
      %dma_start3A_35 = tpu.memref_slice %arg9[%add3A_11, %dma_start3A_34] : memref<10240x128xf32, #tpu.memory_space<vmem_shared>> -> memref<128x128xf32, #tpu.memory_space<vmem_shared>>
      tpu.enqueue_dma source(%arg8 : memref<128x128xf32, #tpu.memory_space<vmem>>) target(%dma_start3A_35 : memref<128x128xf32, #tpu.memory_space<vmem_shared>>) target_semaphore(%run_scoped3A : memref<!tpu.dma_semaphore, #tpu.memory_space<semaphore_mem>>)
      %dma_wait3A = arith.constant 0 : i32
      %dma_wait3A_36 = tpu.memref_slice %arg9[%add3A_11, %dma_wait3A] : memref<10240x128xf32, #tpu.memory_space<vmem_shared>> -> memref<128x128xf32, #tpu.memory_space<vmem_shared>>
      %dma_wait3A_37 = arith.constant 0 : i32
      %dma_wait3A_38 = tpu.memref_slice %arg9[%add3A_11, %dma_wait3A_37] : memref<10240x128xf32, #tpu.memory_space<vmem_shared>> -> memref<128x128xf32, #tpu.memory_space<vmem_shared>>
      tpu.wait_dma2 semaphore(%run_scoped3A : memref<!tpu.dma_semaphore, #tpu.memory_space<semaphore_mem>>) src(%arg8 : memref<128x128xf32, #tpu.memory_space<vmem>>) dst(%dma_wait3A_38 : memref<128x128xf32, #tpu.memory_space<vmem_shared>>)
      tpu.yield
    }) : () -> ()
    %add3A_12 = arith.constant 128 : i32
    %add3A_13 = arith.addi %mul3A_2, %add3A_12 : i32
    "tpu.region"() ({
      %run_scoped3A = tpu.sem_alloc : memref<!tpu.dma_semaphore, #tpu.memory_space<semaphore_mem>>
      %dma_start3A = arith.constant 0 : i32
      %dma_start3A_33 = tpu.memref_slice %arg9[%add3A_13, %dma_start3A] : memref<10240x128xf32, #tpu.memory_space<vmem_shared>> -> memref<128x128xf32, #tpu.memory_space<vmem_shared>>
      %dma_start3A_34 = arith.constant 0 : i32
      %dma_start3A_35 = tpu.memref_slice %arg9[%add3A_13, %dma_start3A_34] : memref<10240x128xf32, #tpu.memory_space<vmem_shared>> -> memref<128x128xf32, #tpu.memory_space<vmem_shared>>
      tpu.enqueue_dma source(%arg8 : memref<128x128xf32, #tpu.memory_space<vmem>>) target(%dma_start3A_35 : memref<128x128xf32, #tpu.memory_space<vmem_shared>>) target_semaphore(%run_scoped3A : memref<!tpu.dma_semaphore, #tpu.memory_space<semaphore_mem>>)
      %dma_wait3A = arith.constant 0 : i32
      %dma_wait3A_36 = tpu.memref_slice %arg9[%add3A_13, %dma_wait3A] : memref<10240x128xf32, #tpu.memory_space<vmem_shared>> -> memref<128x128xf32, #tpu.memory_space<vmem_shared>>
      %dma_wait3A_37 = arith.constant 0 : i32
      %dma_wait3A_38 = tpu.memref_slice %arg9[%add3A_13, %dma_wait3A_37] : memref<10240x128xf32, #tpu.memory_space<vmem_shared>> -> memref<128x128xf32, #tpu.memory_space<vmem_shared>>
      tpu.wait_dma2 semaphore(%run_scoped3A : memref<!tpu.dma_semaphore, #tpu.memory_space<semaphore_mem>>) src(%arg8 : memref<128x128xf32, #tpu.memory_space<vmem>>) dst(%dma_wait3A_38 : memref<128x128xf32, #tpu.memory_space<vmem_shared>>)
      tpu.yield
    }) : () -> ()
    %add3A_14 = arith.constant 256 : i32
    %add3A_15 = arith.addi %mul3A_2, %add3A_14 : i32
    "tpu.region"() ({
      %run_scoped3A = tpu.sem_alloc : memref<!tpu.dma_semaphore, #tpu.memory_space<semaphore_mem>>
      %dma_start3A = arith.constant 0 : i32
      %dma_start3A_33 = tpu.memref_slice %arg9[%add3A_15, %dma_start3A] : memref<10240x128xf32, #tpu.memory_space<vmem_shared>> -> memref<128x128xf32, #tpu.memory_space<vmem_shared>>
      %dma_start3A_34 = arith.constant 0 : i32
      %dma_start3A_35 = tpu.memref_slice %arg9[%add3A_15, %dma_start3A_34] : memref<10240x128xf32, #tpu.memory_space<vmem_shared>> -> memref<128x128xf32, #tpu.memory_space<vmem_shared>>
      tpu.enqueue_dma source(%arg8 : memref<128x128xf32, #tpu.memory_space<vmem>>) target(%dma_start3A_35 : memref<128x128xf32, #tpu.memory_space<vmem_shared>>) target_semaphore(%run_scoped3A : memref<!tpu.dma_semaphore, #tpu.memory_space<semaphore_mem>>)
      %dma_wait3A = arith.constant 0 : i32
      %dma_wait3A_36 = tpu.memref_slice %arg9[%add3A_15, %dma_wait3A] : memref<10240x128xf32, #tpu.memory_space<vmem_shared>> -> memref<128x128xf32, #tpu.memory_space<vmem_shared>>
      %dma_wait3A_37 = arith.constant 0 : i32
      %dma_wait3A_38 = tpu.memref_slice %arg9[%add3A_15, %dma_wait3A_37] : memref<10240x128xf32, #tpu.memory_space<vmem_shared>> -> memref<128x128xf32, #tpu.memory_space<vmem_shared>>
      tpu.wait_dma2 semaphore(%run_scoped3A : memref<!tpu.dma_semaphore, #tpu.memory_space<semaphore_mem>>) src(%arg8 : memref<128x128xf32, #tpu.memory_space<vmem>>) dst(%dma_wait3A_38 : memref<128x128xf32, #tpu.memory_space<vmem_shared>>)
      tpu.yield
    }) : () -> ()
    %add3A_16 = arith.constant 384 : i32
    %add3A_17 = arith.addi %mul3A_2, %add3A_16 : i32
    "tpu.region"() ({
      %run_scoped3A = tpu.sem_alloc : memref<!tpu.dma_semaphore, #tpu.memory_space<semaphore_mem>>
      %dma_start3A = arith.constant 0 : i32
      %dma_start3A_33 = tpu.memref_slice %arg9[%add3A_17, %dma_start3A] : memref<10240x128xf32, #tpu.memory_space<vmem_shared>> -> memref<128x128xf32, #tpu.memory_space<vmem_shared>>
      %dma_start3A_34 = arith.constant 0 : i32
      %dma_start3A_35 = tpu.memref_slice %arg9[%add3A_17, %dma_start3A_34] : memref<10240x128xf32, #tpu.memory_space<vmem_shared>> -> memref<128x128xf32, #tpu.memory_space<vmem_shared>>
      tpu.enqueue_dma source(%arg8 : memref<128x128xf32, #tpu.memory_space<vmem>>) target(%dma_start3A_35 : memref<128x128xf32, #tpu.memory_space<vmem_shared>>) target_semaphore(%run_scoped3A : memref<!tpu.dma_semaphore, #tpu.memory_space<semaphore_mem>>)
      %dma_wait3A = arith.constant 0 : i32
      %dma_wait3A_36 = tpu.memref_slice %arg9[%add3A_17, %dma_wait3A] : memref<10240x128xf32, #tpu.memory_space<vmem_shared>> -> memref<128x128xf32, #tpu.memory_space<vmem_shared>>
      %dma_wait3A_37 = arith.constant 0 : i32
      %dma_wait3A_38 = tpu.memref_slice %arg9[%add3A_17, %dma_wait3A_37] : memref<10240x128xf32, #tpu.memory_space<vmem_shared>> -> memref<128x128xf32, #tpu.memory_space<vmem_shared>>
      tpu.wait_dma2 semaphore(%run_scoped3A : memref<!tpu.dma_semaphore, #tpu.memory_space<semaphore_mem>>) src(%arg8 : memref<128x128xf32, #tpu.memory_space<vmem>>) dst(%dma_wait3A_38 : memref<128x128xf32, #tpu.memory_space<vmem_shared>>)
      tpu.yield
    }) : () -> ()
    %add3A_18 = arith.constant 512 : i32
    %add3A_19 = arith.addi %mul3A_2, %add3A_18 : i32
    "tpu.region"() ({
      %run_scoped3A = tpu.sem_alloc : memref<!tpu.dma_semaphore, #tpu.memory_space<semaphore_mem>>
      %dma_start3A = arith.constant 0 : i32
      %dma_start3A_33 = tpu.memref_slice %arg9[%add3A_19, %dma_start3A] : memref<10240x128xf32, #tpu.memory_space<vmem_shared>> -> memref<128x128xf32, #tpu.memory_space<vmem_shared>>
      %dma_start3A_34 = arith.constant 0 : i32
      %dma_start3A_35 = tpu.memref_slice %arg9[%add3A_19, %dma_start3A_34] : memref<10240x128xf32, #tpu.memory_space<vmem_shared>> -> memref<128x128xf32, #tpu.memory_space<vmem_shared>>
      tpu.enqueue_dma source(%arg8 : memref<128x128xf32, #tpu.memory_space<vmem>>) target(%dma_start3A_35 : memref<128x128xf32, #tpu.memory_space<vmem_shared>>) target_semaphore(%run_scoped3A : memref<!tpu.dma_semaphore, #tpu.memory_space<semaphore_mem>>)
      %dma_wait3A = arith.constant 0 : i32
      %dma_wait3A_36 = tpu.memref_slice %arg9[%add3A_19, %dma_wait3A] : memref<10240x128xf32, #tpu.memory_space<vmem_shared>> -> memref<128x128xf32, #tpu.memory_space<vmem_shared>>
      %dma_wait3A_37 = arith.constant 0 : i32
      %dma_wait3A_38 = tpu.memref_slice %arg9[%add3A_19, %dma_wait3A_37] : memref<10240x128xf32, #tpu.memory_space<vmem_shared>> -> memref<128x128xf32, #tpu.memory_space<vmem_shared>>
      tpu.wait_dma2 semaphore(%run_scoped3A : memref<!tpu.dma_semaphore, #tpu.memory_space<semaphore_mem>>) src(%arg8 : memref<128x128xf32, #tpu.memory_space<vmem>>) dst(%dma_wait3A_38 : memref<128x128xf32, #tpu.memory_space<vmem_shared>>)
      tpu.yield
    }) : () -> ()
    %barrier3A = arith.constant 0 : index
    tpu.barrier barrier_id(%barrier3A)
    %mul3A_20 = arith.constant 10112 : i32
    %mul3A_21 = arith.muli %add3A, %mul3A_20 : i32
    %scan3A_22 = arith.constant 0 : i32
    %scan3A_23 = arith.constant 0 : i32
    %scan3A_24 = arith.constant 79 : i32
    %scan3A_25 = arith.addi %scan3A_23, %scan3A_24 : i32
    %scan3A_26 = arith.constant 1 : i32
    %scan3A_27 = scf.for %scan3A_33 = %scan3A_23 to %scan3A_25 step %scan3A_26 iter_args(%scan3A_34 = %scan3A_22) -> (i32)  : i32 {
      %mul3A_35 = arith.constant 128 : i32
      %mul3A_36 = arith.muli %scan3A_33, %mul3A_35 : i32
      %add3A_37 = arith.addi %mul3A_21, %mul3A_36 : i32
      "tpu.region"() ({
        %run_scoped3A = tpu.sem_alloc : memref<!tpu.dma_semaphore, #tpu.memory_space<semaphore_mem>>
        %dma_start3A_43 = tpu.memref_slice %arg3[%add3A_37] : memref<323584xi32, #tpu.memory_space<hbm>> -> memref<128xi32, #tpu.memory_space<hbm>>
        %dma_start3A_44 = tpu.memref_slice %arg3[%add3A_37] : memref<323584xi32, #tpu.memory_space<hbm>> -> memref<128xi32, #tpu.memory_space<hbm>>
        tpu.enqueue_dma source(%dma_start3A_44 : memref<128xi32, #tpu.memory_space<hbm>>) target(%arg6 : memref<128xi32, #tpu.memory_space<vmem>>) target_semaphore(%run_scoped3A : memref<!tpu.dma_semaphore, #tpu.memory_space<semaphore_mem>>)
        %dma_wait3A_45 = tpu.memref_slice %arg3[%add3A_37] : memref<323584xi32, #tpu.memory_space<hbm>> -> memref<128xi32, #tpu.memory_space<hbm>>
        %dma_wait3A_46 = tpu.memref_slice %arg3[%add3A_37] : memref<323584xi32, #tpu.memory_space<hbm>> -> memref<128xi32, #tpu.memory_space<hbm>>
        tpu.wait_dma2 semaphore(%run_scoped3A : memref<!tpu.dma_semaphore, #tpu.memory_space<semaphore_mem>>) src(%dma_wait3A_46 : memref<128xi32, #tpu.memory_space<hbm>>) dst(%arg6 : memref<128xi32, #tpu.memory_space<vmem>>)
        tpu.yield
      }) : () -> ()
      "tpu.region"() ({
        %run_scoped3A = tpu.sem_alloc : memref<!tpu.dma_semaphore, #tpu.memory_space<semaphore_mem>>
        %dma_start3A_43 = tpu.memref_slice %arg4[%add3A_37] : memref<323584xi32, #tpu.memory_space<hbm>> -> memref<128xi32, #tpu.memory_space<hbm>>
        %dma_start3A_44 = tpu.memref_slice %arg4[%add3A_37] : memref<323584xi32, #tpu.memory_space<hbm>> -> memref<128xi32, #tpu.memory_space<hbm>>
        tpu.enqueue_dma source(%dma_start3A_44 : memref<128xi32, #tpu.memory_space<hbm>>) target(%arg7 : memref<128xi32, #tpu.memory_space<vmem>>) target_semaphore(%run_scoped3A : memref<!tpu.dma_semaphore, #tpu.memory_space<semaphore_mem>>)
        %dma_wait3A_45 = tpu.memref_slice %arg4[%add3A_37] : memref<323584xi32, #tpu.memory_space<hbm>> -> memref<128xi32, #tpu.memory_space<hbm>>
        %dma_wait3A_46 = tpu.memref_slice %arg4[%add3A_37] : memref<323584xi32, #tpu.memory_space<hbm>> -> memref<128xi32, #tpu.memory_space<hbm>>
        tpu.wait_dma2 semaphore(%run_scoped3A : memref<!tpu.dma_semaphore, #tpu.memory_space<semaphore_mem>>) src(%dma_wait3A_46 : memref<128xi32, #tpu.memory_space<hbm>>) dst(%arg7 : memref<128xi32, #tpu.memory_space<vmem>>)
        tpu.yield
      }) : () -> ()
      %dma_start3A = arith.constant 0 : i32
      %dma_start3A_38 = arith.constant 0 : i32
      %dma_start3A_39 = tpu.memref_slice %arg2[%dma_start3A, %dma_start3A_38] : memref<10000x128xf32, #tpu.memory_space<hbm>> -> memref<10000x128xf32, #tpu.memory_space<hbm>>
      tpu.enqueue_indirect_dma source(%dma_start3A_39 : memref<10000x128xf32, #tpu.memory_space<hbm>>) target(%arg8 : memref<128x128xf32, #tpu.memory_space<vmem>>) offsets(%arg6 : memref<128xi32, #tpu.memory_space<vmem>>) semaphore(%arg10 : memref<!tpu.dma_semaphore, #tpu.memory_space<semaphore_mem>>)
      %dma_wait3A = arith.constant 0 : i32
      %dma_wait3A_40 = arith.constant 0 : i32
      %dma_wait3A_41 = tpu.memref_slice %arg2[%dma_wait3A, %dma_wait3A_40] : memref<10000x128xf32, #tpu.memory_space<hbm>> -> memref<10000x128xf32, #tpu.memory_space<hbm>>
      tpu.wait_indirect_dma semaphore(%arg10 : memref<!tpu.dma_semaphore, #tpu.memory_space<semaphore_mem>>) src(%dma_wait3A_41 : memref<10000x128xf32, #tpu.memory_space<hbm>>) dst(%arg8 : memref<128x128xf32, #tpu.memory_space<vmem>>)
      "tpu.region"() ({
        %run_scoped3A = tpu.sem_alloc : memref<!tpu.dma_semaphore, #tpu.memory_space<semaphore_mem>>
        %dma_start3A_43 = arith.constant 0 : i32
        %dma_start3A_44 = arith.constant 0 : i32
        %dma_start3A_45 = tpu.memref_slice %arg9[%dma_start3A_43, %dma_start3A_44] : memref<10240x128xf32, #tpu.memory_space<vmem_shared>> -> memref<10240x128xf32, #tpu.memory_space<vmem_shared>>
        tpu.enqueue_indirect_dma source(%arg8 : memref<128x128xf32, #tpu.memory_space<vmem>>) target(%dma_start3A_45 : memref<10240x128xf32, #tpu.memory_space<vmem_shared>>) offsets(%arg7 : memref<128xi32, #tpu.memory_space<vmem>>) semaphore(%run_scoped3A : memref<!tpu.dma_semaphore, #tpu.memory_space<semaphore_mem>>) {add = true}
        %dma_wait3A_46 = arith.constant 0 : i32
        %dma_wait3A_47 = arith.constant 0 : i32
        %dma_wait3A_48 = tpu.memref_slice %arg9[%dma_wait3A_46, %dma_wait3A_47] : memref<10240x128xf32, #tpu.memory_space<vmem_shared>> -> memref<10240x128xf32, #tpu.memory_space<vmem_shared>>
        tpu.wait_indirect_dma semaphore(%run_scoped3A : memref<!tpu.dma_semaphore, #tpu.memory_space<semaphore_mem>>) src(%arg8 : memref<128x128xf32, #tpu.memory_space<vmem>>) dst(%dma_wait3A_48 : memref<10240x128xf32, #tpu.memory_space<vmem_shared>>)
        tpu.yield
      }) : () -> ()
      %scan3A_42 = arith.constant 0 : i32
      scf.yield %scan3A_42 : i32
    }
    %scan3A_28 = arith.constant 79 : i32
    %barrier3A_29 = arith.constant 0 : index
    tpu.barrier barrier_id(%barrier3A_29)
    %mul3A_30 = arith.constant 10240 : i32
    %mul3A_31 = arith.muli %arg0, %mul3A_30 : i32
    %add3A_32 = arith.addi %mul3A_31, %mul3A_2 : i32
    "tpu.region"() ({
      %run_scoped3A = tpu.sem_alloc : memref<!tpu.dma_semaphore, #tpu.memory_space<semaphore_mem>>
      %dma_start3A = arith.constant 0 : i32
      %dma_start3A_33 = tpu.memref_slice %arg5[%add3A_32, %dma_start3A] : memref<20480x128xf32, #tpu.memory_space<hbm>> -> memref<640x128xf32, #tpu.memory_space<hbm>>
      %dma_start3A_34 = arith.constant 0 : i32
      %dma_start3A_35 = tpu.memref_slice %arg9[%mul3A_2, %dma_start3A_34] : memref<10240x128xf32, #tpu.memory_space<vmem_shared>> -> memref<640x128xf32, #tpu.memory_space<vmem_shared>>
      tpu.enqueue_dma source(%dma_start3A_35 : memref<640x128xf32, #tpu.memory_space<vmem_shared>>) target(%dma_start3A_33 : memref<640x128xf32, #tpu.memory_space<hbm>>) target_semaphore(%run_scoped3A : memref<!tpu.dma_semaphore, #tpu.memory_space<semaphore_mem>>)
      %dma_wait3A = arith.constant 0 : i32
      %dma_wait3A_36 = tpu.memref_slice %arg5[%add3A_32, %dma_wait3A] : memref<20480x128xf32, #tpu.memory_space<hbm>> -> memref<640x128xf32, #tpu.memory_space<hbm>>
      %dma_wait3A_37 = arith.constant 0 : i32
      %dma_wait3A_38 = tpu.memref_slice %arg9[%mul3A_2, %dma_wait3A_37] : memref<10240x128xf32, #tpu.memory_space<vmem_shared>> -> memref<640x128xf32, #tpu.memory_space<vmem_shared>>
      tpu.wait_dma2 semaphore(%run_scoped3A : memref<!tpu.dma_semaphore, #tpu.memory_space<semaphore_mem>>) src(%dma_wait3A_38 : memref<640x128xf32, #tpu.memory_space<vmem_shared>>) dst(%dma_wait3A_36 : memref<640x128xf32, #tpu.memory_space<hbm>>)
      tpu.yield
    }) : () -> ()
    return
  }
}

#map = affine_map<(d0, d1) -> (0, 0)>
#map1 = affine_map<(d0, d1) -> (0)>
module attributes {stable_mosaic.version = 14 : i64} {
  func.func @seg_sum(%arg0: i32, %arg1: i32, %arg2: memref<10000x128xf32, #tpu.memory_space<hbm>>, %arg3: memref<323584xi32, #tpu.memory_space<hbm>>, %arg4: memref<323584xi32, #tpu.memory_space<hbm>>, %arg5: memref<20480x128xf32, #tpu.memory_space<hbm>>, %arg6: memref<128xi32, #tpu.memory_space<vmem>>, %arg7: memref<128xi32, #tpu.memory_space<vmem>>, %arg8: memref<128x128xf32, #tpu.memory_space<vmem>>, %arg9: memref<10240x128xf32, #tpu.memory_space<vmem_shared>>, %arg10: memref<!tpu.dma_semaphore, #tpu.memory_space<semaphore_mem>>) attributes {dimension_semantics = [#tpu.dimension_semantics<core_parallel>, #tpu.dimension_semantics<subcore_parallel>], iteration_bounds = array<i64: 2, 16>, scalar_prefetch = 0 : i64, scratch_operands = 5 : i64, tpu.core_type = #tpu.core_type<sc_vector_subcore>, window_params = [{transform_indices = #map}, {transform_indices = #map1}, {transform_indices = #map1}, {transform_indices = #map}]} {
    %mul3A = arith.constant 2 : i32
    %mul3A_0 = arith.muli %arg1, %mul3A : i32
    %add3A = arith.addi %mul3A_0, %arg0 : i32
    %mul3A_1 = arith.constant 640 : i32
    %mul3A_2 = arith.muli %arg1, %mul3A_1 : i32
    %broadcast_in_dim3A = arith.constant 0.000000e+00 : f32
    %broadcast_in_dim3A_3 = vector.broadcast %broadcast_in_dim3A : f32 to vector<16xf32>
    %scan3A = arith.constant 0 : i32
    %scan3A_4 = arith.constant 0 : i32
    %scan3A_5 = arith.constant 128 : i32
    %scan3A_6 = arith.addi %scan3A_4, %scan3A_5 : i32
    %scan3A_7 = arith.constant 1 : i32
    %scan3A_8 = scf.for %scan3A_33 = %scan3A_4 to %scan3A_6 step %scan3A_7 iter_args(%scan3A_34 = %scan3A) -> (i32)  : i32 {
      %scan3A_35 = arith.constant 0 : i32
      %scan3A_36 = arith.constant 0 : i32
      %scan3A_37 = arith.constant 8 : i32
      %scan3A_38 = arith.addi %scan3A_36, %scan3A_37 : i32
      %scan3A_39 = arith.constant 1 : i32
      %scan3A_40 = scf.for %scan3A_42 = %scan3A_36 to %scan3A_38 step %scan3A_39 iter_args(%scan3A_43 = %scan3A_35) -> (i32)  : i32 {
        %mul3A_44 = arith.constant 16 : i32
        %mul3A_45 = arith.muli %scan3A_42, %mul3A_44 : i32
        %swap3A = arith.index_cast %scan3A_33 : i32 to index
        %swap3A_46 = arith.index_cast %mul3A_45 : i32 to index
        %swap3A_47 = tpu.vector_load %arg8[%swap3A, %swap3A_46] {strides = array<i32>} : memref<128x128xf32, #tpu.memory_space<vmem>>, vector<1x16xf32>,
        %swap3A_48 = vector.shape_cast %swap3A_47 : vector<1x16xf32> to vector<16xf32>
        %swap3A_49 = vector.shape_cast %broadcast_in_dim3A_3 : vector<16xf32> to vector<1x16xf32>
        tpu.vector_store %arg8[%swap3A, %swap3A_46], %swap3A_49 {strides = array<i32>} : memref<128x128xf32, #tpu.memory_space<vmem>>, vector<1x16xf32>,
        %scan3A_50 = arith.constant 0 : i32
        scf.yield %scan3A_50 : i32
      }
      %scan3A_41 = arith.constant 8 : i32
      scf.yield %scan3A_40 : i32
    }
    %scan3A_9 = arith.constant 128 : i32
    %add3A_10 = arith.constant 0 : i32
    %add3A_11 = arith.addi %mul3A_2, %add3A_10 : i32
    "tpu.region"() ({
      %run_scoped3A = tpu.sem_alloc : memref<!tpu.dma_semaphore, #tpu.memory_space<semaphore_mem>>
      %dma_start3A = arith.constant 0 : i32
      %dma_start3A_33 = tpu.memref_slice %arg9[%add3A_11, %dma_start3A] : memref<10240x128xf32, #tpu.memory_space<vmem_shared>> -> memref<128x128xf32, #tpu.memory_space<vmem_shared>>
      %dma_start3A_34 = arith.constant 0 : i32
      %dma_start3A_35 = tpu.memref_slice %arg9[%add3A_11, %dma_start3A_34] : memref<10240x128xf32, #tpu.memory_space<vmem_shared>> -> memref<128x128xf32, #tpu.memory_space<vmem_shared>>
      tpu.enqueue_dma source(%arg8 : memref<128x128xf32, #tpu.memory_space<vmem>>) target(%dma_start3A_35 : memref<128x128xf32, #tpu.memory_space<vmem_shared>>) target_semaphore(%run_scoped3A : memref<!tpu.dma_semaphore, #tpu.memory_space<semaphore_mem>>)
      %dma_wait3A = arith.constant 0 : i32
      %dma_wait3A_36 = tpu.memref_slice %arg9[%add3A_11, %dma_wait3A] : memref<10240x128xf32, #tpu.memory_space<vmem_shared>> -> memref<128x128xf32, #tpu.memory_space<vmem_shared>>
      %dma_wait3A_37 = arith.constant 0 : i32
      %dma_wait3A_38 = tpu.memref_slice %arg9[%add3A_11, %dma_wait3A_37] : memref<10240x128xf32, #tpu.memory_space<vmem_shared>> -> memref<128x128xf32, #tpu.memory_space<vmem_shared>>
      tpu.wait_dma2 semaphore(%run_scoped3A : memref<!tpu.dma_semaphore, #tpu.memory_space<semaphore_mem>>) src(%arg8 : memref<128x128xf32, #tpu.memory_space<vmem>>) dst(%dma_wait3A_38 : memref<128x128xf32, #tpu.memory_space<vmem_shared>>)
      tpu.yield
    }) : () -> ()
    %add3A_12 = arith.constant 128 : i32
    %add3A_13 = arith.addi %mul3A_2, %add3A_12 : i32
    "tpu.region"() ({
      %run_scoped3A = tpu.sem_alloc : memref<!tpu.dma_semaphore, #tpu.memory_space<semaphore_mem>>
      %dma_start3A = arith.constant 0 : i32
      %dma_start3A_33 = tpu.memref_slice %arg9[%add3A_13, %dma_start3A] : memref<10240x128xf32, #tpu.memory_space<vmem_shared>> -> memref<128x128xf32, #tpu.memory_space<vmem_shared>>
      %dma_start3A_34 = arith.constant 0 : i32
      %dma_start3A_35 = tpu.memref_slice %arg9[%add3A_13, %dma_start3A_34] : memref<10240x128xf32, #tpu.memory_space<vmem_shared>> -> memref<128x128xf32, #tpu.memory_space<vmem_shared>>
      tpu.enqueue_dma source(%arg8 : memref<128x128xf32, #tpu.memory_space<vmem>>) target(%dma_start3A_35 : memref<128x128xf32, #tpu.memory_space<vmem_shared>>) target_semaphore(%run_scoped3A : memref<!tpu.dma_semaphore, #tpu.memory_space<semaphore_mem>>)
      %dma_wait3A = arith.constant 0 : i32
      %dma_wait3A_36 = tpu.memref_slice %arg9[%add3A_13, %dma_wait3A] : memref<10240x128xf32, #tpu.memory_space<vmem_shared>> -> memref<128x128xf32, #tpu.memory_space<vmem_shared>>
      %dma_wait3A_37 = arith.constant 0 : i32
      %dma_wait3A_38 = tpu.memref_slice %arg9[%add3A_13, %dma_wait3A_37] : memref<10240x128xf32, #tpu.memory_space<vmem_shared>> -> memref<128x128xf32, #tpu.memory_space<vmem_shared>>
      tpu.wait_dma2 semaphore(%run_scoped3A : memref<!tpu.dma_semaphore, #tpu.memory_space<semaphore_mem>>) src(%arg8 : memref<128x128xf32, #tpu.memory_space<vmem>>) dst(%dma_wait3A_38 : memref<128x128xf32, #tpu.memory_space<vmem_shared>>)
      tpu.yield
    }) : () -> ()
    %add3A_14 = arith.constant 256 : i32
    %add3A_15 = arith.addi %mul3A_2, %add3A_14 : i32
    "tpu.region"() ({
      %run_scoped3A = tpu.sem_alloc : memref<!tpu.dma_semaphore, #tpu.memory_space<semaphore_mem>>
      %dma_start3A = arith.constant 0 : i32
      %dma_start3A_33 = tpu.memref_slice %arg9[%add3A_15, %dma_start3A] : memref<10240x128xf32, #tpu.memory_space<vmem_shared>> -> memref<128x128xf32, #tpu.memory_space<vmem_shared>>
      %dma_start3A_34 = arith.constant 0 : i32
      %dma_start3A_35 = tpu.memref_slice %arg9[%add3A_15, %dma_start3A_34] : memref<10240x128xf32, #tpu.memory_space<vmem_shared>> -> memref<128x128xf32, #tpu.memory_space<vmem_shared>>
      tpu.enqueue_dma source(%arg8 : memref<128x128xf32, #tpu.memory_space<vmem>>) target(%dma_start3A_35 : memref<128x128xf32, #tpu.memory_space<vmem_shared>>) target_semaphore(%run_scoped3A : memref<!tpu.dma_semaphore, #tpu.memory_space<semaphore_mem>>)
      %dma_wait3A = arith.constant 0 : i32
      %dma_wait3A_36 = tpu.memref_slice %arg9[%add3A_15, %dma_wait3A] : memref<10240x128xf32, #tpu.memory_space<vmem_shared>> -> memref<128x128xf32, #tpu.memory_space<vmem_shared>>
      %dma_wait3A_37 = arith.constant 0 : i32
      %dma_wait3A_38 = tpu.memref_slice %arg9[%add3A_15, %dma_wait3A_37] : memref<10240x128xf32, #tpu.memory_space<vmem_shared>> -> memref<128x128xf32, #tpu.memory_space<vmem_shared>>
      tpu.wait_dma2 semaphore(%run_scoped3A : memref<!tpu.dma_semaphore, #tpu.memory_space<semaphore_mem>>) src(%arg8 : memref<128x128xf32, #tpu.memory_space<vmem>>) dst(%dma_wait3A_38 : memref<128x128xf32, #tpu.memory_space<vmem_shared>>)
      tpu.yield
    }) : () -> ()
    %add3A_16 = arith.constant 384 : i32
    %add3A_17 = arith.addi %mul3A_2, %add3A_16 : i32
    "tpu.region"() ({
      %run_scoped3A = tpu.sem_alloc : memref<!tpu.dma_semaphore, #tpu.memory_space<semaphore_mem>>
      %dma_start3A = arith.constant 0 : i32
      %dma_start3A_33 = tpu.memref_slice %arg9[%add3A_17, %dma_start3A] : memref<10240x128xf32, #tpu.memory_space<vmem_shared>> -> memref<128x128xf32, #tpu.memory_space<vmem_shared>>
      %dma_start3A_34 = arith.constant 0 : i32
      %dma_start3A_35 = tpu.memref_slice %arg9[%add3A_17, %dma_start3A_34] : memref<10240x128xf32, #tpu.memory_space<vmem_shared>> -> memref<128x128xf32, #tpu.memory_space<vmem_shared>>
      tpu.enqueue_dma source(%arg8 : memref<128x128xf32, #tpu.memory_space<vmem>>) target(%dma_start3A_35 : memref<128x128xf32, #tpu.memory_space<vmem_shared>>) target_semaphore(%run_scoped3A : memref<!tpu.dma_semaphore, #tpu.memory_space<semaphore_mem>>)
      %dma_wait3A = arith.constant 0 : i32
      %dma_wait3A_36 = tpu.memref_slice %arg9[%add3A_17, %dma_wait3A] : memref<10240x128xf32, #tpu.memory_space<vmem_shared>> -> memref<128x128xf32, #tpu.memory_space<vmem_shared>>
      %dma_wait3A_37 = arith.constant 0 : i32
      %dma_wait3A_38 = tpu.memref_slice %arg9[%add3A_17, %dma_wait3A_37] : memref<10240x128xf32, #tpu.memory_space<vmem_shared>> -> memref<128x128xf32, #tpu.memory_space<vmem_shared>>
      tpu.wait_dma2 semaphore(%run_scoped3A : memref<!tpu.dma_semaphore, #tpu.memory_space<semaphore_mem>>) src(%arg8 : memref<128x128xf32, #tpu.memory_space<vmem>>) dst(%dma_wait3A_38 : memref<128x128xf32, #tpu.memory_space<vmem_shared>>)
      tpu.yield
    }) : () -> ()
    %add3A_18 = arith.constant 512 : i32
    %add3A_19 = arith.addi %mul3A_2, %add3A_18 : i32
    "tpu.region"() ({
      %run_scoped3A = tpu.sem_alloc : memref<!tpu.dma_semaphore, #tpu.memory_space<semaphore_mem>>
      %dma_start3A = arith.constant 0 : i32
      %dma_start3A_33 = tpu.memref_slice %arg9[%add3A_19, %dma_start3A] : memref<10240x128xf32, #tpu.memory_space<vmem_shared>> -> memref<128x128xf32, #tpu.memory_space<vmem_shared>>
      %dma_start3A_34 = arith.constant 0 : i32
      %dma_start3A_35 = tpu.memref_slice %arg9[%add3A_19, %dma_start3A_34] : memref<10240x128xf32, #tpu.memory_space<vmem_shared>> -> memref<128x128xf32, #tpu.memory_space<vmem_shared>>
      tpu.enqueue_dma source(%arg8 : memref<128x128xf32, #tpu.memory_space<vmem>>) target(%dma_start3A_35 : memref<128x128xf32, #tpu.memory_space<vmem_shared>>) target_semaphore(%run_scoped3A : memref<!tpu.dma_semaphore, #tpu.memory_space<semaphore_mem>>)
      %dma_wait3A = arith.constant 0 : i32
      %dma_wait3A_36 = tpu.memref_slice %arg9[%add3A_19, %dma_wait3A] : memref<10240x128xf32, #tpu.memory_space<vmem_shared>> -> memref<128x128xf32, #tpu.memory_space<vmem_shared>>
      %dma_wait3A_37 = arith.constant 0 : i32
      %dma_wait3A_38 = tpu.memref_slice %arg9[%add3A_19, %dma_wait3A_37] : memref<10240x128xf32, #tpu.memory_space<vmem_shared>> -> memref<128x128xf32, #tpu.memory_space<vmem_shared>>
      tpu.wait_dma2 semaphore(%run_scoped3A : memref<!tpu.dma_semaphore, #tpu.memory_space<semaphore_mem>>) src(%arg8 : memref<128x128xf32, #tpu.memory_space<vmem>>) dst(%dma_wait3A_38 : memref<128x128xf32, #tpu.memory_space<vmem_shared>>)
      tpu.yield
    }) : () -> ()
    %barrier3A = arith.constant 0 : index
    tpu.barrier barrier_id(%barrier3A)
    %mul3A_20 = arith.constant 10112 : i32
    %mul3A_21 = arith.muli %add3A, %mul3A_20 : i32
    %scan3A_22 = arith.constant 0 : i32
    %scan3A_23 = arith.constant 0 : i32
    %scan3A_24 = arith.constant 79 : i32
    %scan3A_25 = arith.addi %scan3A_23, %scan3A_24 : i32
    %scan3A_26 = arith.constant 1 : i32
    %scan3A_27 = scf.for %scan3A_33 = %scan3A_23 to %scan3A_25 step %scan3A_26 iter_args(%scan3A_34 = %scan3A_22) -> (i32)  : i32 {
      %mul3A_35 = arith.constant 128 : i32
      %mul3A_36 = arith.muli %scan3A_33, %mul3A_35 : i32
      %add3A_37 = arith.addi %mul3A_21, %mul3A_36 : i32
      "tpu.region"() ({
        %run_scoped3A = tpu.sem_alloc : memref<!tpu.dma_semaphore, #tpu.memory_space<semaphore_mem>>
        %dma_start3A_43 = tpu.memref_slice %arg3[%add3A_37] : memref<323584xi32, #tpu.memory_space<hbm>> -> memref<128xi32, #tpu.memory_space<hbm>>
        %dma_start3A_44 = tpu.memref_slice %arg3[%add3A_37] : memref<323584xi32, #tpu.memory_space<hbm>> -> memref<128xi32, #tpu.memory_space<hbm>>
        tpu.enqueue_dma source(%dma_start3A_44 : memref<128xi32, #tpu.memory_space<hbm>>) target(%arg6 : memref<128xi32, #tpu.memory_space<vmem>>) target_semaphore(%run_scoped3A : memref<!tpu.dma_semaphore, #tpu.memory_space<semaphore_mem>>)
        %dma_wait3A_45 = tpu.memref_slice %arg3[%add3A_37] : memref<323584xi32, #tpu.memory_space<hbm>> -> memref<128xi32, #tpu.memory_space<hbm>>
        %dma_wait3A_46 = tpu.memref_slice %arg3[%add3A_37] : memref<323584xi32, #tpu.memory_space<hbm>> -> memref<128xi32, #tpu.memory_space<hbm>>
        tpu.wait_dma2 semaphore(%run_scoped3A : memref<!tpu.dma_semaphore, #tpu.memory_space<semaphore_mem>>) src(%dma_wait3A_46 : memref<128xi32, #tpu.memory_space<hbm>>) dst(%arg6 : memref<128xi32, #tpu.memory_space<vmem>>)
        tpu.yield
      }) : () -> ()
      "tpu.region"() ({
        %run_scoped3A = tpu.sem_alloc : memref<!tpu.dma_semaphore, #tpu.memory_space<semaphore_mem>>
        %dma_start3A_43 = tpu.memref_slice %arg4[%add3A_37] : memref<323584xi32, #tpu.memory_space<hbm>> -> memref<128xi32, #tpu.memory_space<hbm>>
        %dma_start3A_44 = tpu.memref_slice %arg4[%add3A_37] : memref<323584xi32, #tpu.memory_space<hbm>> -> memref<128xi32, #tpu.memory_space<hbm>>
        tpu.enqueue_dma source(%dma_start3A_44 : memref<128xi32, #tpu.memory_space<hbm>>) target(%arg7 : memref<128xi32, #tpu.memory_space<vmem>>) target_semaphore(%run_scoped3A : memref<!tpu.dma_semaphore, #tpu.memory_space<semaphore_mem>>)
        %dma_wait3A_45 = tpu.memref_slice %arg4[%add3A_37] : memref<323584xi32, #tpu.memory_space<hbm>> -> memref<128xi32, #tpu.memory_space<hbm>>
        %dma_wait3A_46 = tpu.memref_slice %arg4[%add3A_37] : memref<323584xi32, #tpu.memory_space<hbm>> -> memref<128xi32, #tpu.memory_space<hbm>>
        tpu.wait_dma2 semaphore(%run_scoped3A : memref<!tpu.dma_semaphore, #tpu.memory_space<semaphore_mem>>) src(%dma_wait3A_46 : memref<128xi32, #tpu.memory_space<hbm>>) dst(%arg7 : memref<128xi32, #tpu.memory_space<vmem>>)
        tpu.yield
      }) : () -> ()
      %dma_start3A = arith.constant 0 : i32
      %dma_start3A_38 = arith.constant 0 : i32
      %dma_start3A_39 = tpu.memref_slice %arg2[%dma_start3A, %dma_start3A_38] : memref<10000x128xf32, #tpu.memory_space<hbm>> -> memref<10000x128xf32, #tpu.memory_space<hbm>>
      tpu.enqueue_indirect_dma source(%dma_start3A_39 : memref<10000x128xf32, #tpu.memory_space<hbm>>) target(%arg8 : memref<128x128xf32, #tpu.memory_space<vmem>>) offsets(%arg6 : memref<128xi32, #tpu.memory_space<vmem>>) semaphore(%arg10 : memref<!tpu.dma_semaphore, #tpu.memory_space<semaphore_mem>>)
      %dma_wait3A = arith.constant 0 : i32
      %dma_wait3A_40 = arith.constant 0 : i32
      %dma_wait3A_41 = tpu.memref_slice %arg2[%dma_wait3A, %dma_wait3A_40] : memref<10000x128xf32, #tpu.memory_space<hbm>> -> memref<10000x128xf32, #tpu.memory_space<hbm>>
      tpu.wait_indirect_dma semaphore(%arg10 : memref<!tpu.dma_semaphore, #tpu.memory_space<semaphore_mem>>) src(%dma_wait3A_41 : memref<10000x128xf32, #tpu.memory_space<hbm>>) dst(%arg8 : memref<128x128xf32, #tpu.memory_space<vmem>>)
      "tpu.region"() ({
        %run_scoped3A = tpu.sem_alloc : memref<!tpu.dma_semaphore, #tpu.memory_space<semaphore_mem>>
        %dma_start3A_43 = arith.constant 0 : i32
        %dma_start3A_44 = arith.constant 0 : i32
        %dma_start3A_45 = tpu.memref_slice %arg9[%dma_start3A_43, %dma_start3A_44] : memref<10240x128xf32, #tpu.memory_space<vmem_shared>> -> memref<10240x128xf32, #tpu.memory_space<vmem_shared>>
        tpu.enqueue_indirect_dma source(%arg8 : memref<128x128xf32, #tpu.memory_space<vmem>>) target(%dma_start3A_45 : memref<10240x128xf32, #tpu.memory_space<vmem_shared>>) offsets(%arg7 : memref<128xi32, #tpu.memory_space<vmem>>) semaphore(%run_scoped3A : memref<!tpu.dma_semaphore, #tpu.memory_space<semaphore_mem>>) {add = true}
        %dma_wait3A_46 = arith.constant 0 : i32
        %dma_wait3A_47 = arith.constant 0 : i32
        %dma_wait3A_48 = tpu.memref_slice %arg9[%dma_wait3A_46, %dma_wait3A_47] : memref<10240x128xf32, #tpu.memory_space<vmem_shared>> -> memref<10240x128xf32, #tpu.memory_space<vmem_shared>>
        tpu.wait_indirect_dma semaphore(%run_scoped3A : memref<!tpu.dma_semaphore, #tpu.memory_space<semaphore_mem>>) src(%arg8 : memref<128x128xf32, #tpu.memory_space<vmem>>) dst(%dma_wait3A_48 : memref<10240x128xf32, #tpu.memory_space<vmem_shared>>)
        tpu.yield
      }) : () -> ()
      %scan3A_42 = arith.constant 0 : i32
      scf.yield %scan3A_42 : i32
    }
    %scan3A_28 = arith.constant 79 : i32
    %barrier3A_29 = arith.constant 0 : index
    tpu.barrier barrier_id(%barrier3A_29)
    %mul3A_30 = arith.constant 10240 : i32
    %mul3A_31 = arith.muli %arg0, %mul3A_30 : i32
    %add3A_32 = arith.addi %mul3A_31, %mul3A_2 : i32
    "tpu.region"() ({
      %run_scoped3A = tpu.sem_alloc : memref<!tpu.dma_semaphore, #tpu.memory_space<semaphore_mem>>
      %dma_start3A = arith.constant 0 : i32
      %dma_start3A_33 = tpu.memref_slice %arg5[%add3A_32, %dma_start3A] : memref<20480x128xf32, #tpu.memory_space<hbm>> -> memref<640x128xf32, #tpu.memory_space<hbm>>
      %dma_start3A_34 = arith.constant 0 : i32
      %dma_start3A_35 = tpu.memref_slice %arg9[%mul3A_2, %dma_start3A_34] : memref<10240x128xf32, #tpu.memory_space<vmem_shared>> -> memref<640x128xf32, #tpu.memory_space<vmem_shared>>
      tpu.enqueue_dma source(%dma_start3A_35 : memref<640x128xf32, #tpu.memory_space<vmem_shared>>) target(%dma_start3A_33 : memref<640x128xf32, #tpu.memory_space<hbm>>) target_semaphore(%run_scoped3A : memref<!tpu.dma_semaphore, #tpu.memory_space<semaphore_mem>>)
      %dma_wait3A = arith.constant 0 : i32
      %dma_wait3A_36 = tpu.memref_slice %arg5[%add3A_32, %dma_wait3A] : memref<20480x128xf32, #tpu.memory_space<hbm>> -> memref<640x128xf32, #tpu.memory_space<hbm>>
      %dma_wait3A_37 = arith.constant 0 : i32
      %dma_wait3A_38 = tpu.memref_slice %arg9[%mul3A_2, %dma_wait3A_37] : memref<10240x128xf32, #tpu.memory_space<vmem_shared>> -> memref<640x128xf32, #tpu.memory_space<vmem_shared>>
      tpu.wait_dma2 semaphore(%run_scoped3A : memref<!tpu.dma_semaphore, #tpu.memory_space<semaphore_mem>>) src(%dma_wait3A_38 : memref<640x128xf32, #tpu.memory_space<vmem_shared>>) dst(%dma_wait3A_36 : memref<640x128xf32, #tpu.memory_space<hbm>>)
      tpu.yield
    }) : () -> ()
    return
  }
}

#map = affine_map<(d0, d1) -> (0, 0)>
#map1 = affine_map<(d0, d1) -> (0)>
module attributes {stable_mosaic.version = 14 : i64} {
  func.func @seg_sum(%arg0: i32, %arg1: i32, %arg2: memref<10000x128xf32, #tpu.memory_space<hbm>>, %arg3: memref<323584xi32, #tpu.memory_space<hbm>>, %arg4: memref<323584xi32, #tpu.memory_space<hbm>>, %arg5: memref<20480x128xf32, #tpu.memory_space<hbm>>, %arg6: memref<128xi32, #tpu.memory_space<vmem>>, %arg7: memref<128xi32, #tpu.memory_space<vmem>>, %arg8: memref<128x128xf32, #tpu.memory_space<vmem>>, %arg9: memref<10240x128xf32, #tpu.memory_space<vmem_shared>>, %arg10: memref<!tpu.dma_semaphore, #tpu.memory_space<semaphore_mem>>) attributes {dimension_semantics = [#tpu.dimension_semantics<core_parallel>, #tpu.dimension_semantics<subcore_parallel>], iteration_bounds = array<i64: 2, 16>, scalar_prefetch = 0 : i64, scratch_operands = 5 : i64, tpu.core_type = #tpu.core_type<sc_vector_subcore>, window_params = [{transform_indices = #map}, {transform_indices = #map1}, {transform_indices = #map1}, {transform_indices = #map}]} {
    %mul3A = arith.constant 2 : i32
    %mul3A_0 = arith.muli %arg1, %mul3A : i32
    %add3A = arith.addi %mul3A_0, %arg0 : i32
    %mul3A_1 = arith.constant 640 : i32
    %mul3A_2 = arith.muli %arg1, %mul3A_1 : i32
    %broadcast_in_dim3A = arith.constant 0.000000e+00 : f32
    %broadcast_in_dim3A_3 = vector.broadcast %broadcast_in_dim3A : f32 to vector<16xf32>
    %scan3A = arith.constant 0 : i32
    %scan3A_4 = arith.constant 0 : i32
    %scan3A_5 = arith.constant 128 : i32
    %scan3A_6 = arith.addi %scan3A_4, %scan3A_5 : i32
    %scan3A_7 = arith.constant 1 : i32
    %scan3A_8 = scf.for %scan3A_33 = %scan3A_4 to %scan3A_6 step %scan3A_7 iter_args(%scan3A_34 = %scan3A) -> (i32)  : i32 {
      %scan3A_35 = arith.constant 0 : i32
      %scan3A_36 = arith.constant 0 : i32
      %scan3A_37 = arith.constant 8 : i32
      %scan3A_38 = arith.addi %scan3A_36, %scan3A_37 : i32
      %scan3A_39 = arith.constant 1 : i32
      %scan3A_40 = scf.for %scan3A_42 = %scan3A_36 to %scan3A_38 step %scan3A_39 iter_args(%scan3A_43 = %scan3A_35) -> (i32)  : i32 {
        %mul3A_44 = arith.constant 16 : i32
        %mul3A_45 = arith.muli %scan3A_42, %mul3A_44 : i32
        %swap3A = arith.index_cast %scan3A_33 : i32 to index
        %swap3A_46 = arith.index_cast %mul3A_45 : i32 to index
        %swap3A_47 = tpu.vector_load %arg8[%swap3A, %swap3A_46] {strides = array<i32>} : memref<128x128xf32, #tpu.memory_space<vmem>>, vector<1x16xf32>,
        %swap3A_48 = vector.shape_cast %swap3A_47 : vector<1x16xf32> to vector<16xf32>
        %swap3A_49 = vector.shape_cast %broadcast_in_dim3A_3 : vector<16xf32> to vector<1x16xf32>
        tpu.vector_store %arg8[%swap3A, %swap3A_46], %swap3A_49 {strides = array<i32>} : memref<128x128xf32, #tpu.memory_space<vmem>>, vector<1x16xf32>,
        %scan3A_50 = arith.constant 0 : i32
        scf.yield %scan3A_50 : i32
      }
      %scan3A_41 = arith.constant 8 : i32
      scf.yield %scan3A_40 : i32
    }
    %scan3A_9 = arith.constant 128 : i32
    %add3A_10 = arith.constant 0 : i32
    %add3A_11 = arith.addi %mul3A_2, %add3A_10 : i32
    "tpu.region"() ({
      %run_scoped3A = tpu.sem_alloc : memref<!tpu.dma_semaphore, #tpu.memory_space<semaphore_mem>>
      %dma_start3A = arith.constant 0 : i32
      %dma_start3A_33 = tpu.memref_slice %arg9[%add3A_11, %dma_start3A] : memref<10240x128xf32, #tpu.memory_space<vmem_shared>> -> memref<128x128xf32, #tpu.memory_space<vmem_shared>>
      %dma_start3A_34 = arith.constant 0 : i32
      %dma_start3A_35 = tpu.memref_slice %arg9[%add3A_11, %dma_start3A_34] : memref<10240x128xf32, #tpu.memory_space<vmem_shared>> -> memref<128x128xf32, #tpu.memory_space<vmem_shared>>
      tpu.enqueue_dma source(%arg8 : memref<128x128xf32, #tpu.memory_space<vmem>>) target(%dma_start3A_35 : memref<128x128xf32, #tpu.memory_space<vmem_shared>>) target_semaphore(%run_scoped3A : memref<!tpu.dma_semaphore, #tpu.memory_space<semaphore_mem>>)
      %dma_wait3A = arith.constant 0 : i32
      %dma_wait3A_36 = tpu.memref_slice %arg9[%add3A_11, %dma_wait3A] : memref<10240x128xf32, #tpu.memory_space<vmem_shared>> -> memref<128x128xf32, #tpu.memory_space<vmem_shared>>
      %dma_wait3A_37 = arith.constant 0 : i32
      %dma_wait3A_38 = tpu.memref_slice %arg9[%add3A_11, %dma_wait3A_37] : memref<10240x128xf32, #tpu.memory_space<vmem_shared>> -> memref<128x128xf32, #tpu.memory_space<vmem_shared>>
      tpu.wait_dma2 semaphore(%run_scoped3A : memref<!tpu.dma_semaphore, #tpu.memory_space<semaphore_mem>>) src(%arg8 : memref<128x128xf32, #tpu.memory_space<vmem>>) dst(%dma_wait3A_38 : memref<128x128xf32, #tpu.memory_space<vmem_shared>>)
      tpu.yield
    }) : () -> ()
    %add3A_12 = arith.constant 128 : i32
    %add3A_13 = arith.addi %mul3A_2, %add3A_12 : i32
    "tpu.region"() ({
      %run_scoped3A = tpu.sem_alloc : memref<!tpu.dma_semaphore, #tpu.memory_space<semaphore_mem>>
      %dma_start3A = arith.constant 0 : i32
      %dma_start3A_33 = tpu.memref_slice %arg9[%add3A_13, %dma_start3A] : memref<10240x128xf32, #tpu.memory_space<vmem_shared>> -> memref<128x128xf32, #tpu.memory_space<vmem_shared>>
      %dma_start3A_34 = arith.constant 0 : i32
      %dma_start3A_35 = tpu.memref_slice %arg9[%add3A_13, %dma_start3A_34] : memref<10240x128xf32, #tpu.memory_space<vmem_shared>> -> memref<128x128xf32, #tpu.memory_space<vmem_shared>>
      tpu.enqueue_dma source(%arg8 : memref<128x128xf32, #tpu.memory_space<vmem>>) target(%dma_start3A_35 : memref<128x128xf32, #tpu.memory_space<vmem_shared>>) target_semaphore(%run_scoped3A : memref<!tpu.dma_semaphore, #tpu.memory_space<semaphore_mem>>)
      %dma_wait3A = arith.constant 0 : i32
      %dma_wait3A_36 = tpu.memref_slice %arg9[%add3A_13, %dma_wait3A] : memref<10240x128xf32, #tpu.memory_space<vmem_shared>> -> memref<128x128xf32, #tpu.memory_space<vmem_shared>>
      %dma_wait3A_37 = arith.constant 0 : i32
      %dma_wait3A_38 = tpu.memref_slice %arg9[%add3A_13, %dma_wait3A_37] : memref<10240x128xf32, #tpu.memory_space<vmem_shared>> -> memref<128x128xf32, #tpu.memory_space<vmem_shared>>
      tpu.wait_dma2 semaphore(%run_scoped3A : memref<!tpu.dma_semaphore, #tpu.memory_space<semaphore_mem>>) src(%arg8 : memref<128x128xf32, #tpu.memory_space<vmem>>) dst(%dma_wait3A_38 : memref<128x128xf32, #tpu.memory_space<vmem_shared>>)
      tpu.yield
    }) : () -> ()
    %add3A_14 = arith.constant 256 : i32
    %add3A_15 = arith.addi %mul3A_2, %add3A_14 : i32
    "tpu.region"() ({
      %run_scoped3A = tpu.sem_alloc : memref<!tpu.dma_semaphore, #tpu.memory_space<semaphore_mem>>
      %dma_start3A = arith.constant 0 : i32
      %dma_start3A_33 = tpu.memref_slice %arg9[%add3A_15, %dma_start3A] : memref<10240x128xf32, #tpu.memory_space<vmem_shared>> -> memref<128x128xf32, #tpu.memory_space<vmem_shared>>
      %dma_start3A_34 = arith.constant 0 : i32
      %dma_start3A_35 = tpu.memref_slice %arg9[%add3A_15, %dma_start3A_34] : memref<10240x128xf32, #tpu.memory_space<vmem_shared>> -> memref<128x128xf32, #tpu.memory_space<vmem_shared>>
      tpu.enqueue_dma source(%arg8 : memref<128x128xf32, #tpu.memory_space<vmem>>) target(%dma_start3A_35 : memref<128x128xf32, #tpu.memory_space<vmem_shared>>) target_semaphore(%run_scoped3A : memref<!tpu.dma_semaphore, #tpu.memory_space<semaphore_mem>>)
      %dma_wait3A = arith.constant 0 : i32
      %dma_wait3A_36 = tpu.memref_slice %arg9[%add3A_15, %dma_wait3A] : memref<10240x128xf32, #tpu.memory_space<vmem_shared>> -> memref<128x128xf32, #tpu.memory_space<vmem_shared>>
      %dma_wait3A_37 = arith.constant 0 : i32
      %dma_wait3A_38 = tpu.memref_slice %arg9[%add3A_15, %dma_wait3A_37] : memref<10240x128xf32, #tpu.memory_space<vmem_shared>> -> memref<128x128xf32, #tpu.memory_space<vmem_shared>>
      tpu.wait_dma2 semaphore(%run_scoped3A : memref<!tpu.dma_semaphore, #tpu.memory_space<semaphore_mem>>) src(%arg8 : memref<128x128xf32, #tpu.memory_space<vmem>>) dst(%dma_wait3A_38 : memref<128x128xf32, #tpu.memory_space<vmem_shared>>)
      tpu.yield
    }) : () -> ()
    %add3A_16 = arith.constant 384 : i32
    %add3A_17 = arith.addi %mul3A_2, %add3A_16 : i32
    "tpu.region"() ({
      %run_scoped3A = tpu.sem_alloc : memref<!tpu.dma_semaphore, #tpu.memory_space<semaphore_mem>>
      %dma_start3A = arith.constant 0 : i32
      %dma_start3A_33 = tpu.memref_slice %arg9[%add3A_17, %dma_start3A] : memref<10240x128xf32, #tpu.memory_space<vmem_shared>> -> memref<128x128xf32, #tpu.memory_space<vmem_shared>>
      %dma_start3A_34 = arith.constant 0 : i32
      %dma_start3A_35 = tpu.memref_slice %arg9[%add3A_17, %dma_start3A_34] : memref<10240x128xf32, #tpu.memory_space<vmem_shared>> -> memref<128x128xf32, #tpu.memory_space<vmem_shared>>
      tpu.enqueue_dma source(%arg8 : memref<128x128xf32, #tpu.memory_space<vmem>>) target(%dma_start3A_35 : memref<128x128xf32, #tpu.memory_space<vmem_shared>>) target_semaphore(%run_scoped3A : memref<!tpu.dma_semaphore, #tpu.memory_space<semaphore_mem>>)
      %dma_wait3A = arith.constant 0 : i32
      %dma_wait3A_36 = tpu.memref_slice %arg9[%add3A_17, %dma_wait3A] : memref<10240x128xf32, #tpu.memory_space<vmem_shared>> -> memref<128x128xf32, #tpu.memory_space<vmem_shared>>
      %dma_wait3A_37 = arith.constant 0 : i32
      %dma_wait3A_38 = tpu.memref_slice %arg9[%add3A_17, %dma_wait3A_37] : memref<10240x128xf32, #tpu.memory_space<vmem_shared>> -> memref<128x128xf32, #tpu.memory_space<vmem_shared>>
      tpu.wait_dma2 semaphore(%run_scoped3A : memref<!tpu.dma_semaphore, #tpu.memory_space<semaphore_mem>>) src(%arg8 : memref<128x128xf32, #tpu.memory_space<vmem>>) dst(%dma_wait3A_38 : memref<128x128xf32, #tpu.memory_space<vmem_shared>>)
      tpu.yield
    }) : () -> ()
    %add3A_18 = arith.constant 512 : i32
    %add3A_19 = arith.addi %mul3A_2, %add3A_18 : i32
    "tpu.region"() ({
      %run_scoped3A = tpu.sem_alloc : memref<!tpu.dma_semaphore, #tpu.memory_space<semaphore_mem>>
      %dma_start3A = arith.constant 0 : i32
      %dma_start3A_33 = tpu.memref_slice %arg9[%add3A_19, %dma_start3A] : memref<10240x128xf32, #tpu.memory_space<vmem_shared>> -> memref<128x128xf32, #tpu.memory_space<vmem_shared>>
      %dma_start3A_34 = arith.constant 0 : i32
      %dma_start3A_35 = tpu.memref_slice %arg9[%add3A_19, %dma_start3A_34] : memref<10240x128xf32, #tpu.memory_space<vmem_shared>> -> memref<128x128xf32, #tpu.memory_space<vmem_shared>>
      tpu.enqueue_dma source(%arg8 : memref<128x128xf32, #tpu.memory_space<vmem>>) target(%dma_start3A_35 : memref<128x128xf32, #tpu.memory_space<vmem_shared>>) target_semaphore(%run_scoped3A : memref<!tpu.dma_semaphore, #tpu.memory_space<semaphore_mem>>)
      %dma_wait3A = arith.constant 0 : i32
      %dma_wait3A_36 = tpu.memref_slice %arg9[%add3A_19, %dma_wait3A] : memref<10240x128xf32, #tpu.memory_space<vmem_shared>> -> memref<128x128xf32, #tpu.memory_space<vmem_shared>>
      %dma_wait3A_37 = arith.constant 0 : i32
      %dma_wait3A_38 = tpu.memref_slice %arg9[%add3A_19, %dma_wait3A_37] : memref<10240x128xf32, #tpu.memory_space<vmem_shared>> -> memref<128x128xf32, #tpu.memory_space<vmem_shared>>
      tpu.wait_dma2 semaphore(%run_scoped3A : memref<!tpu.dma_semaphore, #tpu.memory_space<semaphore_mem>>) src(%arg8 : memref<128x128xf32, #tpu.memory_space<vmem>>) dst(%dma_wait3A_38 : memref<128x128xf32, #tpu.memory_space<vmem_shared>>)
      tpu.yield
    }) : () -> ()
    %barrier3A = arith.constant 0 : index
    tpu.barrier barrier_id(%barrier3A)
    %mul3A_20 = arith.constant 10112 : i32
    %mul3A_21 = arith.muli %add3A, %mul3A_20 : i32
    %scan3A_22 = arith.constant 0 : i32
    %scan3A_23 = arith.constant 0 : i32
    %scan3A_24 = arith.constant 79 : i32
    %scan3A_25 = arith.addi %scan3A_23, %scan3A_24 : i32
    %scan3A_26 = arith.constant 1 : i32
    %scan3A_27 = scf.for %scan3A_33 = %scan3A_23 to %scan3A_25 step %scan3A_26 iter_args(%scan3A_34 = %scan3A_22) -> (i32)  : i32 {
      %mul3A_35 = arith.constant 128 : i32
      %mul3A_36 = arith.muli %scan3A_33, %mul3A_35 : i32
      %add3A_37 = arith.addi %mul3A_21, %mul3A_36 : i32
      "tpu.region"() ({
        %run_scoped3A = tpu.sem_alloc : memref<!tpu.dma_semaphore, #tpu.memory_space<semaphore_mem>>
        %dma_start3A_43 = tpu.memref_slice %arg3[%add3A_37] : memref<323584xi32, #tpu.memory_space<hbm>> -> memref<128xi32, #tpu.memory_space<hbm>>
        %dma_start3A_44 = tpu.memref_slice %arg3[%add3A_37] : memref<323584xi32, #tpu.memory_space<hbm>> -> memref<128xi32, #tpu.memory_space<hbm>>
        tpu.enqueue_dma source(%dma_start3A_44 : memref<128xi32, #tpu.memory_space<hbm>>) target(%arg6 : memref<128xi32, #tpu.memory_space<vmem>>) target_semaphore(%run_scoped3A : memref<!tpu.dma_semaphore, #tpu.memory_space<semaphore_mem>>)
        %dma_wait3A_45 = tpu.memref_slice %arg3[%add3A_37] : memref<323584xi32, #tpu.memory_space<hbm>> -> memref<128xi32, #tpu.memory_space<hbm>>
        %dma_wait3A_46 = tpu.memref_slice %arg3[%add3A_37] : memref<323584xi32, #tpu.memory_space<hbm>> -> memref<128xi32, #tpu.memory_space<hbm>>
        tpu.wait_dma2 semaphore(%run_scoped3A : memref<!tpu.dma_semaphore, #tpu.memory_space<semaphore_mem>>) src(%dma_wait3A_46 : memref<128xi32, #tpu.memory_space<hbm>>) dst(%arg6 : memref<128xi32, #tpu.memory_space<vmem>>)
        tpu.yield
      }) : () -> ()
      "tpu.region"() ({
        %run_scoped3A = tpu.sem_alloc : memref<!tpu.dma_semaphore, #tpu.memory_space<semaphore_mem>>
        %dma_start3A_43 = tpu.memref_slice %arg4[%add3A_37] : memref<323584xi32, #tpu.memory_space<hbm>> -> memref<128xi32, #tpu.memory_space<hbm>>
        %dma_start3A_44 = tpu.memref_slice %arg4[%add3A_37] : memref<323584xi32, #tpu.memory_space<hbm>> -> memref<128xi32, #tpu.memory_space<hbm>>
        tpu.enqueue_dma source(%dma_start3A_44 : memref<128xi32, #tpu.memory_space<hbm>>) target(%arg7 : memref<128xi32, #tpu.memory_space<vmem>>) target_semaphore(%run_scoped3A : memref<!tpu.dma_semaphore, #tpu.memory_space<semaphore_mem>>)
        %dma_wait3A_45 = tpu.memref_slice %arg4[%add3A_37] : memref<323584xi32, #tpu.memory_space<hbm>> -> memref<128xi32, #tpu.memory_space<hbm>>
        %dma_wait3A_46 = tpu.memref_slice %arg4[%add3A_37] : memref<323584xi32, #tpu.memory_space<hbm>> -> memref<128xi32, #tpu.memory_space<hbm>>
        tpu.wait_dma2 semaphore(%run_scoped3A : memref<!tpu.dma_semaphore, #tpu.memory_space<semaphore_mem>>) src(%dma_wait3A_46 : memref<128xi32, #tpu.memory_space<hbm>>) dst(%arg7 : memref<128xi32, #tpu.memory_space<vmem>>)
        tpu.yield
      }) : () -> ()
      %dma_start3A = arith.constant 0 : i32
      %dma_start3A_38 = arith.constant 0 : i32
      %dma_start3A_39 = tpu.memref_slice %arg2[%dma_start3A, %dma_start3A_38] : memref<10000x128xf32, #tpu.memory_space<hbm>> -> memref<10000x128xf32, #tpu.memory_space<hbm>>
      tpu.enqueue_indirect_dma source(%dma_start3A_39 : memref<10000x128xf32, #tpu.memory_space<hbm>>) target(%arg8 : memref<128x128xf32, #tpu.memory_space<vmem>>) offsets(%arg6 : memref<128xi32, #tpu.memory_space<vmem>>) semaphore(%arg10 : memref<!tpu.dma_semaphore, #tpu.memory_space<semaphore_mem>>)
      %dma_wait3A = arith.constant 0 : i32
      %dma_wait3A_40 = arith.constant 0 : i32
      %dma_wait3A_41 = tpu.memref_slice %arg2[%dma_wait3A, %dma_wait3A_40] : memref<10000x128xf32, #tpu.memory_space<hbm>> -> memref<10000x128xf32, #tpu.memory_space<hbm>>
      tpu.wait_indirect_dma semaphore(%arg10 : memref<!tpu.dma_semaphore, #tpu.memory_space<semaphore_mem>>) src(%dma_wait3A_41 : memref<10000x128xf32, #tpu.memory_space<hbm>>) dst(%arg8 : memref<128x128xf32, #tpu.memory_space<vmem>>)
      "tpu.region"() ({
        %run_scoped3A = tpu.sem_alloc : memref<!tpu.dma_semaphore, #tpu.memory_space<semaphore_mem>>
        %dma_start3A_43 = arith.constant 0 : i32
        %dma_start3A_44 = arith.constant 0 : i32
        %dma_start3A_45 = tpu.memref_slice %arg9[%dma_start3A_43, %dma_start3A_44] : memref<10240x128xf32, #tpu.memory_space<vmem_shared>> -> memref<10240x128xf32, #tpu.memory_space<vmem_shared>>
        tpu.enqueue_indirect_dma source(%arg8 : memref<128x128xf32, #tpu.memory_space<vmem>>) target(%dma_start3A_45 : memref<10240x128xf32, #tpu.memory_space<vmem_shared>>) offsets(%arg7 : memref<128xi32, #tpu.memory_space<vmem>>) semaphore(%run_scoped3A : memref<!tpu.dma_semaphore, #tpu.memory_space<semaphore_mem>>) {add = true}
        %dma_wait3A_46 = arith.constant 0 : i32
        %dma_wait3A_47 = arith.constant 0 : i32
        %dma_wait3A_48 = tpu.memref_slice %arg9[%dma_wait3A_46, %dma_wait3A_47] : memref<10240x128xf32, #tpu.memory_space<vmem_shared>> -> memref<10240x128xf32, #tpu.memory_space<vmem_shared>>
        tpu.wait_indirect_dma semaphore(%run_scoped3A : memref<!tpu.dma_semaphore, #tpu.memory_space<semaphore_mem>>) src(%arg8 : memref<128x128xf32, #tpu.memory_space<vmem>>) dst(%dma_wait3A_48 : memref<10240x128xf32, #tpu.memory_space<vmem_shared>>)
        tpu.yield
      }) : () -> ()
      %scan3A_42 = arith.constant 0 : i32
      scf.yield %scan3A_42 : i32
    }
    %scan3A_28 = arith.constant 79 : i32
    %barrier3A_29 = arith.constant 0 : index
    tpu.barrier barrier_id(%barrier3A_29)
    %mul3A_30 = arith.constant 10240 : i32
    %mul3A_31 = arith.muli %arg0, %mul3A_30 : i32
    %add3A_32 = arith.addi %mul3A_31, %mul3A_2 : i32
    "tpu.region"() ({
      %run_scoped3A = tpu.sem_alloc : memref<!tpu.dma_semaphore, #tpu.memory_space<semaphore_mem>>
      %dma_start3A = arith.constant 0 : i32
      %dma_start3A_33 = tpu.memref_slice %arg5[%add3A_32, %dma_start3A] : memref<20480x128xf32, #tpu.memory_space<hbm>> -> memref<640x128xf32, #tpu.memory_space<hbm>>
      %dma_start3A_34 = arith.constant 0 : i32
      %dma_start3A_35 = tpu.memref_slice %arg9[%mul3A_2, %dma_start3A_34] : memref<10240x128xf32, #tpu.memory_space<vmem_shared>> -> memref<640x128xf32, #tpu.memory_space<vmem_shared>>
      tpu.enqueue_dma source(%dma_start3A_35 : memref<640x128xf32, #tpu.memory_space<vmem_shared>>) target(%dma_start3A_33 : memref<640x128xf32, #tpu.memory_space<hbm>>) target_semaphore(%run_scoped3A : memref<!tpu.dma_semaphore, #tpu.memory_space<semaphore_mem>>)
      %dma_wait3A = arith.constant 0 : i32
      %dma_wait3A_36 = tpu.memref_slice %arg5[%add3A_32, %dma_wait3A] : memref<20480x128xf32, #tpu.memory_space<hbm>> -> memref<640x128xf32, #tpu.memory_space<hbm>>
      %dma_wait3A_37 = arith.constant 0 : i32
      %dma_wait3A_38 = tpu.memref_slice %arg9[%mul3A_2, %dma_wait3A_37] : memref<10240x128xf32, #tpu.memory_space<vmem_shared>> -> memref<640x128xf32, #tpu.memory_space<vmem_shared>>
      tpu.wait_dma2 semaphore(%run_scoped3A : memref<!tpu.dma_semaphore, #tpu.memory_space<semaphore_mem>>) src(%dma_wait3A_38 : memref<640x128xf32, #tpu.memory_space<vmem_shared>>) dst(%dma_wait3A_36 : memref<640x128xf32, #tpu.memory_space<hbm>>)
      tpu.yield
    }) : () -> ()
    return
  }
}

module attributes {stable_mosaic.version = 14 : i64} {
  func.func @_layer_body(%arg0: memref<20480x128xf32, #tpu.memory_space<vmem>>, %arg1: memref<10000x1xf32, #tpu.memory_space<vmem>>, %arg2: memref<10000x128xf32, #tpu.memory_space<vmem>>, %arg3: memref<128x128xf32, #tpu.memory_space<vmem>>, %arg4: memref<1x128xf32, #tpu.memory_space<vmem>>, %arg5: memref<128x128xf32, #tpu.memory_space<vmem>>, %arg6: memref<1x128xf32, #tpu.memory_space<vmem>>, %arg7: memref<1x128xf32, #tpu.memory_space<vmem>>, %arg8: memref<10000x128xf32, #tpu.memory_space<vmem>>) attributes {dimension_semantics = [], scalar_prefetch = 0 : i64, scratch_operands = 0 : i64, tpu.core_type = #tpu.core_type<tc>} {
    %get3A = arith.constant 0 : index
    %get3A_0 = arith.constant 0 : index
    %get3A_1 = vector.load %arg0[%get3A, %get3A_0] : memref<20480x128xf32, #tpu.memory_space<vmem>>, vector<10000x128xf32>
    %get3A_2 = arith.constant 10240 : index
    %get3A_3 = arith.constant 0 : index
    %get3A_4 = vector.load %arg0[%get3A_2, %get3A_3] : memref<20480x128xf32, #tpu.memory_space<vmem>>, vector<10000x128xf32>
    %add3A = arith.addf %get3A_1, %get3A_4 : vector<10000x128xf32>
    %get3A_5 = arith.constant 0 : index
    %get3A_6 = arith.constant 0 : index
    %get3A_7 = vector.load %arg1[%get3A_5, %get3A_6] : memref<10000x1xf32, #tpu.memory_space<vmem>>, vector<10000x1xf32>
    %div3A = vector.broadcast %get3A_7 : vector<10000x1xf32> to vector<10000x128xf32>
    %div3A_8 = arith.divf %add3A, %div3A : vector<10000x128xf32>
    %get3A_9 = arith.constant 0 : index
    %get3A_10 = arith.constant 0 : index
    %get3A_11 = vector.load %arg3[%get3A_9, %get3A_10] : memref<128x128xf32, #tpu.memory_space<vmem>>, vector<128x128xf32>
    %dot_general3A = arith.constant dense<0.000000e+00> : vector<10000x128xf32>
    %dot_general3A_12 = tpu.matmul %div3A_8, %get3A_11, %dot_general3A {dimension_numbers = #tpu.dot_dimension_numbers<[1], [0], [0], [1], [0, 0, 1, 1], [], []>, transpose_lhs_hint = false} : vector<10000x128xf32>, vector<128x128xf32>, vector<10000x128xf32> -> vector<10000x128xf32>
    %get3A_13 = arith.constant 0 : index
    %get3A_14 = arith.constant 0 : index
    %get3A_15 = vector.load %arg4[%get3A_13, %get3A_14] : memref<1x128xf32, #tpu.memory_space<vmem>>, vector<1x128xf32>
    %add3A_16 = vector.broadcast %get3A_15 : vector<1x128xf32> to vector<10000x128xf32>
    %add3A_17 = arith.addf %dot_general3A_12, %add3A_16 : vector<10000x128xf32>
    %get3A_18 = arith.constant 0 : index
    %get3A_19 = arith.constant 0 : index
    %get3A_20 = vector.load %arg2[%get3A_18, %get3A_19] : memref<10000x128xf32, #tpu.memory_space<vmem>>, vector<10000x128xf32>
    %get3A_21 = arith.constant 0 : index
    %get3A_22 = arith.constant 0 : index
    %get3A_23 = vector.load %arg5[%get3A_21, %get3A_22] : memref<128x128xf32, #tpu.memory_space<vmem>>, vector<128x128xf32>
    %dot_general3A_24 = arith.constant dense<0.000000e+00> : vector<10000x128xf32>
    %dot_general3A_25 = tpu.matmul %get3A_20, %get3A_23, %dot_general3A_24 {dimension_numbers = #tpu.dot_dimension_numbers<[1], [0], [0], [1], [0, 0, 1, 1], [], []>, transpose_lhs_hint = false} : vector<10000x128xf32>, vector<128x128xf32>, vector<10000x128xf32> -> vector<10000x128xf32>
    %add3A_26 = arith.addf %add3A_17, %dot_general3A_25 : vector<10000x128xf32>
    %reduce_sum3A = arith.constant dense<0.000000e+00> : vector<128xf32>
    %reduce_sum3A_27 = vector.multi_reduction <add>, %add3A_26, %reduce_sum3A [0] : vector<10000x128xf32> to vector<128xf32>
    %broadcast_in_dim3A = vector.shape_cast %reduce_sum3A_27 : vector<128xf32> to vector<1x128xf32>
    %div3A_28 = arith.constant 1.000000e+04 : f32
    %div3A_29 = vector.broadcast %div3A_28 : f32 to vector<1x128xf32>
    %div3A_30 = arith.divf %broadcast_in_dim3A, %div3A_29 : vector<1x128xf32>
    %sub3A = vector.broadcast %div3A_30 : vector<1x128xf32> to vector<10000x128xf32>
    %sub3A_31 = arith.subf %add3A_26, %sub3A : vector<10000x128xf32>
    %sub3A_32 = vector.broadcast %div3A_30 : vector<1x128xf32> to vector<10000x128xf32>
    %sub3A_33 = arith.subf %add3A_26, %sub3A_32 : vector<10000x128xf32>
    %mul3A = arith.mulf %sub3A_31, %sub3A_33 : vector<10000x128xf32>
    %reduce_sum3A_34 = arith.constant dense<0.000000e+00> : vector<128xf32>
    %reduce_sum3A_35 = vector.multi_reduction <add>, %mul3A, %reduce_sum3A_34 [0] : vector<10000x128xf32> to vector<128xf32>
    %broadcast_in_dim3A_36 = vector.shape_cast %reduce_sum3A_35 : vector<128xf32> to vector<1x128xf32>
    %div3A_37 = arith.constant 1.000000e+04 : f32
    %div3A_38 = vector.broadcast %div3A_37 : f32 to vector<1x128xf32>
    %div3A_39 = arith.divf %broadcast_in_dim3A_36, %div3A_38 : vector<1x128xf32>
    %sub3A_40 = vector.broadcast %div3A_30 : vector<1x128xf32> to vector<10000x128xf32>
    %sub3A_41 = arith.subf %add3A_26, %sub3A_40 : vector<10000x128xf32>
    %add3A_42 = arith.constant 9.99999974E-6 : f32
    %add3A_43 = vector.broadcast %add3A_42 : f32 to vector<1x128xf32>
    %add3A_44 = arith.addf %div3A_39, %add3A_43 : vector<1x128xf32>
    %sqrt3A = math.sqrt %add3A_44 : vector<1x128xf32>
    %div3A_45 = vector.broadcast %sqrt3A : vector<1x128xf32> to vector<10000x128xf32>
    %div3A_46 = arith.divf %sub3A_41, %div3A_45 : vector<10000x128xf32>
    %get3A_47 = arith.constant 0 : index
    %get3A_48 = arith.constant 0 : index
    %get3A_49 = vector.load %arg6[%get3A_47, %get3A_48] : memref<1x128xf32, #tpu.memory_space<vmem>>, vector<1x128xf32>
    %mul3A_50 = vector.broadcast %get3A_49 : vector<1x128xf32> to vector<10000x128xf32>
    %mul3A_51 = arith.mulf %div3A_46, %mul3A_50 : vector<10000x128xf32>
    %get3A_52 = arith.constant 0 : index
    %get3A_53 = arith.constant 0 : index
    %get3A_54 = vector.load %arg7[%get3A_52, %get3A_53] : memref<1x128xf32, #tpu.memory_space<vmem>>, vector<1x128xf32>
    %add3A_55 = vector.broadcast %get3A_54 : vector<1x128xf32> to vector<10000x128xf32>
    %add3A_56 = arith.addf %mul3A_51, %add3A_55 : vector<10000x128xf32>
    %max3A = arith.constant 0.000000e+00 : f32
    %max3A_57 = vector.broadcast %max3A : f32 to vector<10000x128xf32>
    %max3A_58 = arith.maximumf %add3A_56, %max3A_57 : vector<10000x128xf32>
    %swap3A = arith.constant 0 : index
    %swap3A_59 = arith.constant 0 : index
    %swap3A_60 = vector.load %arg8[%swap3A, %swap3A_59] : memref<10000x128xf32, #tpu.memory_space<vmem>>, vector<10000x128xf32>
    tpu.vector_store %arg8[%swap3A, %swap3A_59], %max3A_58 {strides = array<i32>} : memref<10000x128xf32, #tpu.memory_space<vmem>>, vector<10000x128xf32>,
    return
  }
}

module attributes {stable_mosaic.version = 14 : i64} {
  func.func @_cnt_prep_body(%arg0: memref<20480x128xf32, #tpu.memory_space<vmem>>, %arg1: memref<10000x1xf32, #tpu.memory_space<vmem>>) attributes {dimension_semantics = [], scalar_prefetch = 0 : i64, scratch_operands = 0 : i64, tpu.core_type = #tpu.core_type<tc>} {
    %get3A = arith.constant 0 : index
    %get3A_0 = arith.constant 0 : index
    %get3A_1 = vector.load %arg0[%get3A, %get3A_0] : memref<20480x128xf32, #tpu.memory_space<vmem>>, vector<10000x1xf32>
    %get3A_2 = arith.constant 10240 : index
    %get3A_3 = arith.constant 0 : index
    %get3A_4 = vector.load %arg0[%get3A_2, %get3A_3] : memref<20480x128xf32, #tpu.memory_space<vmem>>, vector<10000x1xf32>
    %add3A = arith.addf %get3A_1, %get3A_4 : vector<10000x1xf32>
    %max3A = arith.constant 1.000000e+00 : f32
    %max3A_5 = vector.broadcast %max3A : f32 to vector<10000x1xf32>
    %max3A_6 = arith.maximumf %add3A, %max3A_5 : vector<10000x1xf32>
    %swap3A = arith.constant 0 : index
    %swap3A_7 = arith.constant 0 : index
    %swap3A_8 = vector.load %arg1[%swap3A, %swap3A_7] : memref<10000x1xf32, #tpu.memory_space<vmem>>, vector<10000x1xf32>
    tpu.vector_store %arg1[%swap3A, %swap3A_7], %max3A_6 {strides = array<i32>} : memref<10000x1xf32, #tpu.memory_space<vmem>>, vector<10000x1xf32>,
    return
  }
}

module attributes {stable_mosaic.version = 14 : i64} {
  func.func @_fin_body(%arg0: memref<20480x128xf32, #tpu.memory_space<vmem>>, %arg1: memref<10000x1xf32, #tpu.memory_space<vmem>>, %arg2: memref<10000x128xf32, #tpu.memory_space<vmem>>, %arg3: memref<128x128xf32, #tpu.memory_space<vmem>>, %arg4: memref<1x128xf32, #tpu.memory_space<vmem>>, %arg5: memref<128x128xf32, #tpu.memory_space<vmem>>, %arg6: memref<1x128xf32, #tpu.memory_space<vmem>>, %arg7: memref<1x128xf32, #tpu.memory_space<vmem>>, %arg8: memref<10000x1xi32, #tpu.memory_space<vmem>>, %arg9: memref<128x64xf32, #tpu.memory_space<vmem>>, %arg10: memref<1x64xf32, #tpu.memory_space<vmem>>, %arg11: memref<64x1xf32, #tpu.memory_space<vmem>>, %arg12: memref<1x1xf32, #tpu.memory_space<vmem>>, %arg13: memref<128x1xf32, #tpu.memory_space<vmem>>) attributes {dimension_semantics = [], scalar_prefetch = 0 : i64, scratch_operands = 0 : i64, tpu.core_type = #tpu.core_type<tc>} {
    %get3A = arith.constant 0 : index
    %get3A_0 = arith.constant 0 : index
    %get3A_1 = vector.load %arg0[%get3A, %get3A_0] : memref<20480x128xf32, #tpu.memory_space<vmem>>, vector<10000x128xf32>
    %get3A_2 = arith.constant 10240 : index
    %get3A_3 = arith.constant 0 : index
    %get3A_4 = vector.load %arg0[%get3A_2, %get3A_3] : memref<20480x128xf32, #tpu.memory_space<vmem>>, vector<10000x128xf32>
    %add3A = arith.addf %get3A_1, %get3A_4 : vector<10000x128xf32>
    %get3A_5 = arith.constant 0 : index
    %get3A_6 = arith.constant 0 : index
    %get3A_7 = vector.load %arg1[%get3A_5, %get3A_6] : memref<10000x1xf32, #tpu.memory_space<vmem>>, vector<10000x1xf32>
    %div3A = vector.broadcast %get3A_7 : vector<10000x1xf32> to vector<10000x128xf32>
    %div3A_8 = arith.divf %add3A, %div3A : vector<10000x128xf32>
    %get3A_9 = arith.constant 0 : index
    %get3A_10 = arith.constant 0 : index
    %get3A_11 = vector.load %arg3[%get3A_9, %get3A_10] : memref<128x128xf32, #tpu.memory_space<vmem>>, vector<128x128xf32>
    %dot_general3A = arith.constant dense<0.000000e+00> : vector<10000x128xf32>
    %dot_general3A_12 = tpu.matmul %div3A_8, %get3A_11, %dot_general3A {dimension_numbers = #tpu.dot_dimension_numbers<[1], [0], [0], [1], [0, 0, 1, 1], [], []>, transpose_lhs_hint = false} : vector<10000x128xf32>, vector<128x128xf32>, vector<10000x128xf32> -> vector<10000x128xf32>
    %get3A_13 = arith.constant 0 : index
    %get3A_14 = arith.constant 0 : index
    %get3A_15 = vector.load %arg4[%get3A_13, %get3A_14] : memref<1x128xf32, #tpu.memory_space<vmem>>, vector<1x128xf32>
    %add3A_16 = vector.broadcast %get3A_15 : vector<1x128xf32> to vector<10000x128xf32>
    %add3A_17 = arith.addf %dot_general3A_12, %add3A_16 : vector<10000x128xf32>
    %get3A_18 = arith.constant 0 : index
    %get3A_19 = arith.constant 0 : index
    %get3A_20 = vector.load %arg2[%get3A_18, %get3A_19] : memref<10000x128xf32, #tpu.memory_space<vmem>>, vector<10000x128xf32>
    %get3A_21 = arith.constant 0 : index
    %get3A_22 = arith.constant 0 : index
    %get3A_23 = vector.load %arg5[%get3A_21, %get3A_22] : memref<128x128xf32, #tpu.memory_space<vmem>>, vector<128x128xf32>
    %dot_general3A_24 = arith.constant dense<0.000000e+00> : vector<10000x128xf32>
    %dot_general3A_25 = tpu.matmul %get3A_20, %get3A_23, %dot_general3A_24 {dimension_numbers = #tpu.dot_dimension_numbers<[1], [0], [0], [1], [0, 0, 1, 1], [], []>, transpose_lhs_hint = false} : vector<10000x128xf32>, vector<128x128xf32>, vector<10000x128xf32> -> vector<10000x128xf32>
    %add3A_26 = arith.addf %add3A_17, %dot_general3A_25 : vector<10000x128xf32>
    %reduce_sum3A = arith.constant dense<0.000000e+00> : vector<128xf32>
    %reduce_sum3A_27 = vector.multi_reduction <add>, %add3A_26, %reduce_sum3A [0] : vector<10000x128xf32> to vector<128xf32>
    %broadcast_in_dim3A = vector.shape_cast %reduce_sum3A_27 : vector<128xf32> to vector<1x128xf32>
    %div3A_28 = arith.constant 1.000000e+04 : f32
    %div3A_29 = vector.broadcast %div3A_28 : f32 to vector<1x128xf32>
    %div3A_30 = arith.divf %broadcast_in_dim3A, %div3A_29 : vector<1x128xf32>
    %sub3A = vector.broadcast %div3A_30 : vector<1x128xf32> to vector<10000x128xf32>
    %sub3A_31 = arith.subf %add3A_26, %sub3A : vector<10000x128xf32>
    %sub3A_32 = vector.broadcast %div3A_30 : vector<1x128xf32> to vector<10000x128xf32>
    %sub3A_33 = arith.subf %add3A_26, %sub3A_32 : vector<10000x128xf32>
    %mul3A = arith.mulf %sub3A_31, %sub3A_33 : vector<10000x128xf32>
    %reduce_sum3A_34 = arith.constant dense<0.000000e+00> : vector<128xf32>
    %reduce_sum3A_35 = vector.multi_reduction <add>, %mul3A, %reduce_sum3A_34 [0] : vector<10000x128xf32> to vector<128xf32>
    %broadcast_in_dim3A_36 = vector.shape_cast %reduce_sum3A_35 : vector<128xf32> to vector<1x128xf32>
    %div3A_37 = arith.constant 1.000000e+04 : f32
    %div3A_38 = vector.broadcast %div3A_37 : f32 to vector<1x128xf32>
    %div3A_39 = arith.divf %broadcast_in_dim3A_36, %div3A_38 : vector<1x128xf32>
    %sub3A_40 = vector.broadcast %div3A_30 : vector<1x128xf32> to vector<10000x128xf32>
    %sub3A_41 = arith.subf %add3A_26, %sub3A_40 : vector<10000x128xf32>
    %add3A_42 = arith.constant 9.99999974E-6 : f32
    %add3A_43 = vector.broadcast %add3A_42 : f32 to vector<1x128xf32>
    %add3A_44 = arith.addf %div3A_39, %add3A_43 : vector<1x128xf32>
    %sqrt3A = math.sqrt %add3A_44 : vector<1x128xf32>
    %div3A_45 = vector.broadcast %sqrt3A : vector<1x128xf32> to vector<10000x128xf32>
    %div3A_46 = arith.divf %sub3A_41, %div3A_45 : vector<10000x128xf32>
    %get3A_47 = arith.constant 0 : index
    %get3A_48 = arith.constant 0 : index
    %get3A_49 = vector.load %arg6[%get3A_47, %get3A_48] : memref<1x128xf32, #tpu.memory_space<vmem>>, vector<1x128xf32>
    %mul3A_50 = vector.broadcast %get3A_49 : vector<1x128xf32> to vector<10000x128xf32>
    %mul3A_51 = arith.mulf %div3A_46, %mul3A_50 : vector<10000x128xf32>
    %get3A_52 = arith.constant 0 : index
    %get3A_53 = arith.constant 0 : index
    %get3A_54 = vector.load %arg7[%get3A_52, %get3A_53] : memref<1x128xf32, #tpu.memory_space<vmem>>, vector<1x128xf32>
    %add3A_55 = vector.broadcast %get3A_54 : vector<1x128xf32> to vector<10000x128xf32>
    %add3A_56 = arith.addf %mul3A_51, %add3A_55 : vector<10000x128xf32>
    %max3A = arith.constant 0.000000e+00 : f32
    %max3A_57 = vector.broadcast %max3A : f32 to vector<10000x128xf32>
    %max3A_58 = arith.maximumf %add3A_56, %max3A_57 : vector<10000x128xf32>
    %get3A_59 = arith.constant 0 : index
    %get3A_60 = arith.constant 0 : index
    %get3A_61 = vector.load %arg8[%get3A_59, %get3A_60] : memref<10000x1xi32, #tpu.memory_space<vmem>>, vector<10000x1xi32>
    %iota3A = tpu.iota {dimensions = array<i32: 1>} : vector<1x128xi32>
    %eq3A = vector.broadcast %get3A_61 : vector<10000x1xi32> to vector<10000x128xi32>
    %eq3A_62 = vector.broadcast %iota3A : vector<1x128xi32> to vector<10000x128xi32>
    %eq3A_63 = arith.cmpi eq, %eq3A, %eq3A_62 : vector<10000x128xi32>
    %convert_element_type3A = arith.extui %eq3A_63 : vector<10000x128xi1> to vector<10000x128xi32>
    %convert_element_type3A_64 = arith.sitofp %convert_element_type3A : vector<10000x128xi32> to vector<10000x128xf32>
    %dot_general3A_65 = arith.constant dense<0.000000e+00> : vector<128x128xf32>
    %dot_general3A_66 = tpu.matmul %convert_element_type3A_64, %max3A_58, %dot_general3A_65 {dimension_numbers = #tpu.dot_dimension_numbers<[0], [0], [1], [1], [0, 1, 1, 1], [], []>, precision = #tpu.contract_precision<fp32>, transpose_lhs_hint = false} : vector<10000x128xf32>, vector<10000x128xf32>, vector<128x128xf32> -> vector<128x128xf32>
    %reduce_sum3A_67 = arith.constant dense<0.000000e+00> : vector<128xf32>
    %reduce_sum3A_68 = vector.multi_reduction <add>, %convert_element_type3A_64, %reduce_sum3A_67 [0] : vector<10000x128xf32> to vector<128xf32>
    %broadcast_in_dim3A_69 = vector.shape_cast %reduce_sum3A_68 : vector<128xf32> to vector<128x1xf32>
    %max3A_70 = arith.constant 1.000000e+00 : f32
    %max3A_71 = vector.broadcast %max3A_70 : f32 to vector<128x1xf32>
    %max3A_72 = arith.maximumf %broadcast_in_dim3A_69, %max3A_71 : vector<128x1xf32>
    %div3A_73 = vector.broadcast %max3A_72 : vector<128x1xf32> to vector<128x128xf32>
    %div3A_74 = arith.divf %dot_general3A_66, %div3A_73 : vector<128x128xf32>
    %get3A_75 = arith.constant 0 : index
    %get3A_76 = arith.constant 0 : index
    %get3A_77 = vector.load %arg9[%get3A_75, %get3A_76] : memref<128x64xf32, #tpu.memory_space<vmem>>, vector<128x64xf32>
    %dot_general3A_78 = arith.constant dense<0.000000e+00> : vector<128x64xf32>
    %dot_general3A_79 = tpu.matmul %div3A_74, %get3A_77, %dot_general3A_78 {dimension_numbers = #tpu.dot_dimension_numbers<[1], [0], [0], [1], [0, 0, 1, 1], [], []>, transpose_lhs_hint = false} : vector<128x128xf32>, vector<128x64xf32>, vector<128x64xf32> -> vector<128x64xf32>
    %get3A_80 = arith.constant 0 : index
    %get3A_81 = arith.constant 0 : index
    %get3A_82 = vector.load %arg10[%get3A_80, %get3A_81] : memref<1x64xf32, #tpu.memory_space<vmem>>, vector<1x64xf32>
    %add3A_83 = vector.broadcast %get3A_82 : vector<1x64xf32> to vector<128x64xf32>
    %add3A_84 = arith.addf %dot_general3A_79, %add3A_83 : vector<128x64xf32>
    %max3A_85 = arith.constant 0.000000e+00 : f32
    %max3A_86 = vector.broadcast %max3A_85 : f32 to vector<128x64xf32>
    %max3A_87 = arith.maximumf %add3A_84, %max3A_86 : vector<128x64xf32>
    %get3A_88 = arith.constant 0 : index
    %get3A_89 = arith.constant 0 : index
    %get3A_90 = vector.load %arg11[%get3A_88, %get3A_89] : memref<64x1xf32, #tpu.memory_space<vmem>>, vector<64x1xf32>
    %dot_general3A_91 = arith.constant dense<0.000000e+00> : vector<128x1xf32>
    %dot_general3A_92 = tpu.matmul %max3A_87, %get3A_90, %dot_general3A_91 {dimension_numbers = #tpu.dot_dimension_numbers<[1], [0], [0], [1], [0, 0, 1, 1], [], []>, transpose_lhs_hint = false} : vector<128x64xf32>, vector<64x1xf32>, vector<128x1xf32> -> vector<128x1xf32>
    %get3A_93 = arith.constant 0 : index
    %get3A_94 = arith.constant 0 : index
    %get3A_95 = vector.load %arg12[%get3A_93, %get3A_94] : memref<1x1xf32, #tpu.memory_space<vmem>>, vector<1x1xf32>
    %add3A_96 = vector.broadcast %get3A_95 : vector<1x1xf32> to vector<128x1xf32>
    %add3A_97 = arith.addf %dot_general3A_92, %add3A_96 : vector<128x1xf32>
    %swap3A = arith.constant 0 : index
    %swap3A_98 = arith.constant 0 : index
    %swap3A_99 = vector.load %arg13[%swap3A, %swap3A_98] : memref<128x1xf32, #tpu.memory_space<vmem>>, vector<128x1xf32>
    tpu.vector_store %arg13[%swap3A, %swap3A_98], %add3A_97 {strides = array<i32>} : memref<128x1xf32, #tpu.memory_space<vmem>>, vector<128x1xf32>,
    return
  }
}

</mosaic_0001>

<sc_bundles>
// kernel: cnt_sum.3.cloned.1.call-start
scs
__scs_entry_jumppad:
0x0: {  	(pc) =	sbr.rel $0x88, $3  }
0x1: {  	(tag) =	ssettag $0x0;
	lr =	simm.s32 $0x1  }
0x2: {  	[smem:$0x3F8B] =	sst lr;
	_ =	strace $0xD0000000  }
0x3: {  	_ = 	snop  }
0x4: {  	_ = 	snop  }
0x5: {  	_ = 	snop  }
0x6: {  	_ = 	snop  }
0x7: {  	_ = 	snop  }
__scs_overlays_trampoline_lowered:
0x8: {  	[smem:$0x3F9A] =	sst s0  }
0x9: {  	[smem:$0x3F9B] =	sst s1  }
0xa: {  	[smem:$0x3F9C] =	sst s2  }
0xb: {  	[smem:$0x3F9D] =	sst s3  }
0xc: {  	[smem:$0x3F9E] =	sst s4  }
0xd: {  	[smem:$0x3F9F] =	sst s5  }
0xe: {  	[smem:$0x3FA0] =	sst s6  }
0xf: {  	[smem:$0x3FA1] =	sst s7  }
0x10: {  	[smem:$0x3FA2] =	sst s8  }
0x11: {  	[smem:$0x3FA3] =	sst s9;
	s0 =	simm.s32 @!p0 $0x0  }
0x12: {  	s1 =	sld [smem:$0x3F89];
	s0 =	simm.s32 @p0 $0x1  }
0x13: {  	[smem:$0x3FA4] =	sst s0;
	s0 =	simm.s32 @!p1 $0x0  }
0x14: {  	s2 =	sld [smem:$0x3F88];
	s0 =	simm.s32 @p1 $0x1  }
0x15: {  	[smem:$0x3FA5] =	sst s0;
	s0 =	simm.s32 @!p2 $0x0  }
0x16: {  	s3 =	sld [smem:$0x3FDB];
	s0 =	simm.s32 @p2 $0x1  }
0x17: {  	s4 =	simm.s32 $0x1BF5;
	[smem:$0x3FA7] =	sst s0  }
0x18: {  	s0 =	sld [smem:$0x3F8A];
	_ =	swait.ge [sflag:s4], $0x0  }
0x19: {  	s7 =	sld [smem:$0x3F8B]  }
0x1a: {  	s8 =	sadd.s32 $0xFFFFE003, lr  }
0x1b: {  	s9 =	sadd.s32 $0xFFFFFEF7, lr;
	s5 =	simm.s32 $0xFFFFFFFF;
	p2 =	slt.u32 s8, $0xFFFFF086  }
0x1c: {  	p1 =	slt.u32 s9, $0xF7A;
	s5 =	simm.s32 @!p2 $0x0  }
0x1d: {  	s5 =	simm.s32 @p1 $0x1;
	p0 =	seq.s32 s7, s2  }
0x1e: {  	s7 =	smul.u32 @!p0 $0xF7A, s2;
	p2 =	seq.s32 @!p0 s5, $0x0  }
0x1f: {  	s9 =	smul.u32 $0xF7A, s1;
	s8 =	simm.s32 @!p0 $0x1BF5;
	p2 =	por !p2, p0  }
0x20: {  	[sflag:s8] =	ssyncset.s32 @!p0 $0xFFFFF086;
	s6 =	sadd.s32 @!p0 s3, s7;
	s7 =	simm.s32 @!p0 $0x108  }
0x21: {  	s3 =	sadd.s32 s3, s9;
	s6 =	sadd.s32 @!p0 $0x88, s6;
	s7 =	simm.s32 @p2 $0x1082  }
0x22: {  	[simem:s7], [sflag:s8] =	dma.local @!p0 [hbm:s6], $0xF7A  }
0x23: {  	s9 =	sor.u32 $0xD0000000, s2;
	s6 =	simm.s32 $0x108;
	_ =	swait.ge @!p0 [sflag:s8], $0x0  }
0x24: {  	s3 =	sadd.s32 $0x88, s3;
	s6 =	simm.s32 @!p1 $0x1082;
	[sflag:s4] =	ssyncset.s32 $0xFFFFF086  }
0x25: {  	[simem:s6], [sflag:s4] =	dma.local [hbm:s3], $0xF7A  }
0x26: {  	[smem:$0x3F8B] =	sst s1;
	(tag) =	ssettag s2;
	_ =	strace s9  }
0x27: {  	s1 =	sld [smem:$0x3F9B]  }
0x28: {  	s2 =	sld [smem:$0x3F9C]  }
0x29: {  	s4 =	sld [smem:$0x3F9E]  }
0x2a: {  	p0 =	seq.s32 s5, $0x0;
	s5 =	sld [smem:$0x3F9F]  }
0x2b: {  	s6 =	sld [smem:$0x3FA0]  }
0x2c: {  	s7 =	sld [smem:$0x3FA1]  }
0x2d: {  	s3 =	simm.s32 $0x108;
	s8 =	sld [smem:$0x3FA2]  }
0x2e: {  	s3 =	simm.s32 @!p0 $0x1082;
	s9 =	sld [smem:$0x3FA3]  }
0x2f: {  	lr =	sadd.s32 s0, s3;
	s0 =	sld [smem:$0x3F9A]  }
0x30: {  	s3 =	sld [smem:$0x3F9D]  }
0x31: {  	[smem:$0x3FA6] =	sst s10  }
0x32: {  	s10 =	sld [smem:$0x3FA4];
	_ =	sdelay $0x3  }
0x33: {  	p0 =	seq.s32 s10, $0x1;
	s10 =	sld [smem:$0x3FA6];
	_ =	sdelay $0x3  }
0x34: {  	[smem:$0x3FA6] =	sst s10  }
0x35: {  	s10 =	sld [smem:$0x3FA5];
	_ =	sdelay $0x3  }
0x36: {  	p1 =	seq.s32 s10, $0x1;
	s10 =	sld [smem:$0x3FA6];
	_ =	sdelay $0x3  }
0x37: {  	[smem:$0x3FA6] =	sst s10  }
0x38: {  	s10 =	sld [smem:$0x3FA7]  }
0x39: {  	_ = 	snop;
	(pc) =	sbr.ind lr, $3  }
0x3a: {  	_ = 	snop  }
0x3b: {  	_ = 	snop  }
0x3c: {  	p2 =	seq.s32 s10, $0x1;
	s10 =	sld [smem:$0x3FA6]  }
0x3d: {  	_ =	shalt  }
0x3e: {  	_ =	shalt  }
0x3f: {  	_ =	shalt  }
0x40: {  	_ =	shalt  }
0x41: {  	_ =	shalt  }
0x42: {  	_ =	shalt  }
0x43: {  	_ =	shalt  }
0x44: {  	_ =	shalt  }
0x45: {  	_ =	shalt  }
0x46: {  	_ =	shalt  }
0x47: {  	_ =	shalt  }
0x48: {  	_ =	shalt  }
0x49: {  	_ =	shalt  }
0x4a: {  	_ =	shalt  }
0x4b: {  	_ =	shalt  }
0x4c: {  	_ =	shalt  }
0x4d: {  	_ =	shalt  }
0x4e: {  	_ =	shalt  }
0x4f: {  	_ =	shalt  }
0x50: {  	_ =	shalt  }
0x51: {  	_ =	shalt  }
0x52: {  	_ =	shalt  }
0x53: {  	_ =	shalt  }
0x54: {  	_ =	shalt  }
0x55: {  	_ =	shalt  }
0x56: {  	_ =	shalt  }
0x57: {  	_ =	shalt  }
0x58: {  	_ =	shalt  }
0x59: {  	_ =	shalt  }
0x5a: {  	_ =	shalt  }
0x5b: {  	_ =	shalt  }
0x5c: {  	_ =	shalt  }
0x5d: {  	_ =	shalt  }
0x5e: {  	_ =	shalt  }
0x5f: {  	_ =	shalt  }
0x60: {  	_ =	shalt  }
0x61: {  	_ =	shalt  }
0x62: {  	_ =	shalt  }
0x63: {  	_ =	shalt  }
0x64: {  	_ =	shalt  }
0x65: {  	_ =	shalt  }
0x66: {  	_ =	shalt  }
0x67: {  	_ =	shalt  }
0x68: {  	_ =	shalt  }
0x69: {  	_ =	shalt  }
0x6a: {  	_ =	shalt  }
0x6b: {  	_ =	shalt  }
0x6c: {  	_ =	shalt  }
0x6d: {  	_ =	shalt  }
0x6e: {  	_ =	shalt  }
0x6f: {  	_ =	shalt  }
0x70: {  	_ =	shalt  }
0x71: {  	_ =	shalt  }
0x72: {  	_ =	shalt  }
0x73: {  	_ =	shalt  }
0x74: {  	_ =	shalt  }
0x75: {  	_ =	shalt  }
0x76: {  	_ =	shalt  }
0x77: {  	_ =	shalt  }
0x78: {  	_ =	shalt  }
0x79: {  	_ =	shalt  }
0x7a: {  	_ =	shalt  }
0x7b: {  	_ =	shalt  }
0x7c: {  	_ =	shalt  }
0x7d: {  	_ =	shalt  }
0x7e: {  	_ =	shalt  }
0x7f: {  	_ =	shalt  }
0x80: {  	_ =	shalt  }
0x81: {  	_ =	shalt  }
0x82: {  	_ =	shalt  }
0x83: {  	_ =	shalt  }
0x84: {  	_ =	shalt  }
0x85: {  	_ =	shalt  }
0x86: {  	_ =	shalt  }
0x87: {  	_ =	shalt  }
.Lfunc_end0:
.L_simem_size_0:
called_computation_lowered:
.L_overlay_start_0:
0x88: {  	s2 =	sld [smem:$0x3FD9]  }
0x89: {  	s3 =	sld [smem:$0x3FFE];
	_ =	sdelay $0x1  }
0x8a: {  	s1 =	srdreg.scid  }
0x8b: {  	s0 =	sand.u32 $0x1, s1  }
0x8c: {  	s16 =	sshll.u32 s0, $0xA;
	s2 =	sadd.s32 s3, s2  }
0x8d: {  	s2 =	sadd.s32 s2, s16  }
0x8e: {  	[smem:$0x3FB2] =	sst s2  }
0x8f: {  	_ = 	snop  }
0x90: {  	(tm) =	ssettm $0x1  }
0x91: {  	s17 =	sld [smem:$0x3FFB];
	_ =	sdelay $0x3  }
0x92: {  	_ =	strace s17  }
0x93: {  	s2 =	sld [smem:$0x3FFC];
	_ =	sdelay $0x3  }
0x94: {  	_ =	strace s2  }
0x95: {  	s2 =	sld [smem:$0x3FFD];
	_ =	sdelay $0x3  }
0x96: {  	_ =	strace s2  }
0x97: {  	_ =	strace $0x8FFFFFFF  }
0x98: {  	s18 =	sld [smem:$0x3FDB];
	_ =	sdelay $0x1  }
0x99: {  	s19 =	simm.s32 $_scs_section_size  }
0x9a: {  	s4 =	simm.s32 $_size__tile_overlayer_lowered;
	s5 =	simm.s32 $_tile_overlayer_lowered  }
0x9b: {  	s22 =	simm.s32 $0x1BFF;
	s21 =	sshll.u32 s5, $0x1;
	s2 =	sadd.s32 s19, s18  }
0x9c: {  	s6 =	simm.s32 $0x0;
	s20 =	sshll.u32 s4, $0x1;
	s4 =	sadd.s32 s21, s2  }
0x9d: {  	[timem:s6], [sflag:s22] =	dma.local [hbm:s4], s20  }
0x9e: {  	_ =	swait.ge [sflag:s22], s20  }
0x9f: {  	s3 =	ssub.s32 $0x0, s20;
	[sflag:s22] =	ssyncset.done $0x0  }
0xa0: {  	[sflag:s22] =	ssyncadd.s32 s3;
	_ =	sdelay $0x1  }
0xa1: {  	s23 =	simm.s32 $0x1B8B  }
0xa2: {  	_ =	swait.ge [sflag:s23], $0x1  }
0xa3: {  	[sflag:s23] =	ssyncset.done $0x0  }
0xa4: {  	s25 =	simm.s32 $0x1B8E;
	s24 =	sld [smem:$0x3FFE];
	[sflag:s23] =	ssyncadd.s32 $0xFFFFFFFF  }
0xa5: {  	s26 =	simm.s32 $execute0_lowered;
	[smem:$0x3FD2] =	sst s25  }
0xa6: {  	s4 =	sshll.u32 s26, $0x1;
	_ =	strace $0x80000046;
	[dreg:$0x1] =	wrdreg $0xFFFFFFFF  }
0xa7: {  	s28 =	simm.s32 $_size_execute0_lowered;
	s2 =	sadd.s32 s2, s4;
	[dreg:$0x0] =	wrdreg $0x0  }
0xa8: {  	s4 =	sshll.u32 s28, $0x1;
	[dreg:$0x2] =	wrdreg s2  }
0xa9: {  	[dreg:$0x3] =	wrdreg s4  }
0xaa: {  	[dreg:$0x4] =	wrdreg $0xC0  }
0xab: {  	_ =	task [dreg:s6], $0x5FFFF  }
0xac: {  	[dreg:$0x1] =	wrdreg $0xFFFFFFFF  }
0xad: {  	[dreg:$0x0] =	wrdreg $0x60  }
0xae: {  	[dreg:$0x2] =	wrdreg s24  }
0xaf: {  	[dreg:$0x3] =	wrdreg $0x40800  }
0xb0: {  	[dreg:$0x4] =	wrdreg $0x9  }
0xb1: {  	_ =	task.clear_ibuf [dreg:s6], $0x5FFFF;
	_ =	strace $0x90000046  }
0xb2: {  	s29 =	simm.s32 $0x9;
	_ =	strace $0x80000048  }
0xb3: {  	_ =	swait.ge [sflag:s29], $0x1  }
0xb4: {  	[sflag:s29] =	ssyncadd.s32 $0xFFFFFFFF  }
0xb5: {  	_ =	strace $0x90000048  }
0xb6: {  	_ =	sfence  }
0xb7: {  	s30 =	sld [smem:$0x0];
	_ =	sdelay $0x2  }
0xb8: {  	s31 =	sshll.u32 s1, $0xD;
	s1 =	sshrl.u32 s1, $0x2  }
0xb9: {  	s3 =	sand.u32 $0x4000, s31;
	s1 =	sadd.s32 s1, s30  }
0xba: {  	s0 =	sor.u32 s3, s0;
	s1 =	sshll.u32 s1, $0x11  }
0xbb: {  	s0 =	sor.u32 s1, s0  }
0xbc: {  	s0 =	sadd.s32 $0x8F2B, s0  }
0xbd: {  	[sflag:s0] =	ssyncadd.remote.s32 $0x1  }
0xbe: {  	_ =	sfence.sel $0xFFFF  }
0xbf: {  	[dreg:$0x0] =	wrdreg $0xFFFFFFFF;
	(pc) =	sbr.abs _section_cstart, $3  }
0xc0: {  	[dreg:$0x1] =	wrdreg $0xFFFFFFFF  }
0xc1: {  	_ =	task.clear_ibuf [dreg:s6], $0x2FFFF;
	_ =	strace $0x9FFFFFFF  }
0xc2: {  	(tm) =	ssettm $0x7FFFFFFF  }
0xc3: {  	_ =	shalt  }
tec
execute0_lowered:
.L_overlay_start_1:
0x0: {  	(tag) =	ssettag $0x1  }
0x1: {  	s4 =	rddreg [dreg:$0x0]  }
0x2: {  	s0 =	stileid.u32;
	s1 =	srdreg.scid  }
0x3: {  	s2 =	rddreg [dreg:$0x1];
	s3 =	simm.s32 $0x0;
	s5 =	smul.u32 $0x9E0, s0  }
0x4: {  	s6 =	sand.u32 $0x1, s1;
	s7 =	smul.u32 $0x2800, s0;
	s1 =	rddreg [dreg:$0x2]  }
0x5: {  	s16 =	simm.s32 $0x0;
	[smem:$0x7FF] =	sst s3;
	s9 =	smul.u32 $0x50000, s0  }
0x6: {  	s14 =	sshll.u32 s0, $0x6;
	s8 =	smul.u32 $0x28000, s6;
	_ =	strace $0x80000047  }
0x7: {  	s28 =	ssub.s32 $0x2, s6;
	s31 =	smul.u32 $0x4F0, s6;
	s14 =	sor.u32 $0x1C01, s14  }
0x8: {  	s10 =	sadd.s32 s5, s4;
	s29 =	sshrl.u32 s9, $0x2;
	s30 =	sshrl.u32 s28, $0x1  }
0x9: {  	s26 =	sadd.s32 s7, s8;
	s12 =	ssub.s32 s28, s30;
	s13 =	sadd.s32 s31, s10  }
0xa: {  	s11 =	sadd.s32 s26, s4;
	s4 =	sadd.s32 s29, s2;
	s10 =	smax.u32 s12, $0x1  }
0xb: {  	s12 =	simm.s32 $0x80;
	s5 =	sadd.s32 $0x4000, s4;
	s6 =	sadd.s32 $0x8000, s4  }
0xc: {  	s7 =	sadd.s32 $0xC000, s4;
	s8 =	sadd.s32 $0x10000, s4;
	s9 =	sadd.s32 $0xDE00, s11  }
0xd: {  	v0 =	vimm.f32 $0.0e+00;
	v1 =	vimm.f32 $1.000000000e+00;
	s11 =	sadd.s32 $0x4000, s13;
	s13 =	simm.s32 $0x1;
	s15 =	sshrl.u32 s4, $0x3  }
.LBB2_1:
0xe: {  	s17 =	simm.s32 $0x0;
	s18 =	simm.s32 $0x200  }
.LBB2_2:
0xf: {  	p0 =	sne.s32 s18, $0xFE00;
	[tilespmem:s17+$0xF0] =	vst v0  }
0x10: {  	[tilespmem:s17+$0x80] =	vst v0  }
0x11: {  	[tilespmem:s17+$0x90] =	vst v0  }
.Ltmp0:
0x12: {  	[tilespmem:s17+$0xA0] =	vst v0;
	(pc) =	sbr.rel @p0 .LBB2_2-.Ltmp0, $4  }
0x13: {  	[tilespmem:s17+$0xB0] =	vst v0  }
0x14: {  	[tilespmem:s17+$0xC0] =	vst v0  }
0x15: {  	[tilespmem:s17+$0xD0] =	vst v0  }
0x16: {  	[tilespmem:s17+$0xE0] =	vst v0;
	s17 =	sshra.s32 s18, $0x2;
	s18 =	sadd.s32 $0x200, s18  }
0x17: {  	[tilespmem:s17+$0xF0] =	vst v0  }
0x18: {  	[tilespmem:s17+$0x80] =	vst v0  }
0x19: {  	[tilespmem:s17+$0x90] =	vst v0  }
0x1a: {  	[tilespmem:s17+$0xA0] =	vst v0  }
0x1b: {  	[tilespmem:s17+$0xB0] =	vst v0  }
0x1c: {  	[tilespmem:s17+$0xC0] =	vst v0  }
0x1d: {  	[tilespmem:s17+$0xD0] =	vst v0  }
0x1e: {  	[tilespmem:s17+$0xE0] =	vst v0  }
0x1f: {  	[spmem:s4] =	stream.linear.scatter [tilespmem:s12], [sflag:$0x1], $0x4000, $0x38;
	[tilespmem:$0x18080] =	vst v63  }
0x20: {  	_ =	swait.ge [sflag:s13], $0x4000  }
0x21: {  	[sflag:s13] =	ssyncset.done $0x0  }
0x22: {  	[sflag:s13] =	ssyncadd.s32 $0xFFFFC000  }
0x23: {  	[spmem:s5] =	stream.linear.scatter [tilespmem:s12], [sflag:$0x1], $0x4000, $0x38;
	[tilespmem:$0x18080] =	vst v63  }
0x24: {  	_ =	swait.ge [sflag:s13], $0x4000  }
0x25: {  	[sflag:s13] =	ssyncset.done $0x0  }
0x26: {  	[sflag:s13] =	ssyncadd.s32 $0xFFFFC000  }
0x27: {  	[spmem:s6] =	stream.linear.scatter [tilespmem:s12], [sflag:$0x1], $0x4000, $0x38;
	[tilespmem:$0x18080] =	vst v63  }
0x28: {  	_ =	swait.ge [sflag:s13], $0x4000  }
0x29: {  	[sflag:s13] =	ssyncset.done $0x0  }
0x2a: {  	[sflag:s13] =	ssyncadd.s32 $0xFFFFC000  }
0x2b: {  	[spmem:s7] =	stream.linear.scatter [tilespmem:s12], [sflag:$0x1], $0x4000, $0x38;
	[tilespmem:$0x18080] =	vst v63  }
0x2c: {  	_ =	swait.ge [sflag:s13], $0x4000  }
0x2d: {  	[sflag:s13] =	ssyncset.done $0x0  }
0x2e: {  	[sflag:s13] =	ssyncadd.s32 $0xFFFFC000  }
0x2f: {  	[spmem:s8] =	stream.linear.scatter [tilespmem:s12], [sflag:$0x1], $0x4000, $0x38;
	[tilespmem:$0x18080] =	vst v63  }
0x30: {  	_ =	swait.ge [sflag:s13], $0x4000  }
0x31: {  	[sflag:s13] =	ssyncset.done $0x0  }
0x32: {  	s17 =	simm.s32 $0x0;
	s18 =	simm.s32 $0x200;
	[sflag:s13] =	ssyncadd.s32 $0xFFFFC000  }
.LBB2_4:
0x33: {  	p0 =	sne.s32 s18, $0xFE00;
	[tilespmem:s17+$0xF0] =	vst v1  }
0x34: {  	[tilespmem:s17+$0x80] =	vst v1  }
0x35: {  	[tilespmem:s17+$0x90] =	vst v1  }
.Ltmp1:
0x36: {  	[tilespmem:s17+$0xA0] =	vst v1;
	(pc) =	sbr.rel @p0 .LBB2_4-.Ltmp1, $4  }
0x37: {  	[tilespmem:s17+$0xB0] =	vst v1  }
0x38: {  	[tilespmem:s17+$0xC0] =	vst v1  }
0x39: {  	[tilespmem:s17+$0xD0] =	vst v1  }
0x3a: {  	[tilespmem:s17+$0xE0] =	vst v1;
	s17 =	sshra.s32 s18, $0x2;
	s18 =	sadd.s32 $0x200, s18  }
0x3b: {  	[tilespmem:s17+$0xF0] =	vst v1  }
0x3c: {  	[tilespmem:s17+$0x80] =	vst v1  }
0x3d: {  	[tilespmem:s17+$0x90] =	vst v1  }
0x3e: {  	[tilespmem:s17+$0xA0] =	vst v1  }
0x3f: {  	[tilespmem:s17+$0xB0] =	vst v1  }
0x40: {  	[tilespmem:s17+$0xC0] =	vst v1  }
0x41: {  	[tilespmem:s17+$0xD0] =	vst v1  }
0x42: {  	[tilespmem:s17+$0xE0] =	vst v1  }
0x43: {  	s31 =	sadd.s32 $0x0, s11;
	[bflag:$0x0] =	sbarrier.arrive $0xFFFF  }
0x44: {  	[tilespmem:s3], [sflag:$0x1] =	stream.linear.gather [hbm4b:s31+s3], $0x80, $0x38;
	[tilespmem:$0x18080] =	vst v63  }
0x45: {  	_ =	swait.ge [sflag:s13], $0x80  }
0x46: {  	[sflag:s13] =	ssyncset.done $0x0  }
0x47: {  	[sflag:s13] =	ssyncadd.s32 $0xFFFFFF80  }
0x48: {  	[spmem:s2] =	stream.indirect.scatter.add.f32 [tilespmem:s12], [sflag:$0x1], $0x80, s3, s12, $0xb8;
	[tilespmem:$0x18080] =	vst v63  }
0x49: {  	_ =	swait.ge [sflag:s13], $0x4000  }
0x4a: {  	s17 =	simm.s32 $0x10;
	s18 =	simm.s32 $0x20;
	[sflag:s13] =	ssyncset.done $0x0  }
.LBB2_6:
0x4b: {  	s19 =	sadd.s32 s17, s11  }
0x4c: {  	[sflag:s13] =	ssyncadd.s32 $0xFFFFC000;
	s17 =	smov.u32 s18;
	s20 =	sadd.s32 $0x10, s18  }
0x4d: {  	[tilespmem:s3], [sflag:$0x1] =	stream.linear.gather [hbm4b:s19+s3], $0x80, $0x38;
	[tilespmem:$0x18080] =	vst v63  }
0x4e: {  	p0 =	sne.s32 s18, $0x4E0;
	_ =	swait.ge [sflag:s13], $0x80  }
.Ltmp2:
0x4f: {  	[sflag:s13] =	ssyncset.done $0x0;
	(pc) =	sbr.rel @p0 .LBB2_6-.Ltmp2, $4  }
0x50: {  	[sflag:s13] =	ssyncadd.s32 $0xFFFFFF80  }
0x51: {  	[spmem:s2] =	stream.indirect.scatter.add.f32 [tilespmem:s12], [sflag:$0x1], $0x80, s3, s12, $0xb8;
	[tilespmem:$0x18080] =	vst v63  }
0x52: {  	_ =	swait.ge [sflag:s13], $0x4000  }
0x53: {  	s18 =	smov.u32 s20;
	[sflag:s13] =	ssyncset.done $0x0  }
0x54: {  	s17 =	sadd.s32 s17, s11;
	[sflag:s13] =	ssyncadd.s32 $0xFFFFC000  }
0x55: {  	[tilespmem:s3], [sflag:$0x1] =	stream.linear.gather [hbm4b:s17+s3], $0x80, $0x38;
	[tilespmem:$0x18080] =	vst v63  }
0x56: {  	_ =	swait.ge [sflag:s13], $0x80  }
0x57: {  	[sflag:s13] =	ssyncset.done $0x0  }
0x58: {  	[sflag:s13] =	ssyncadd.s32 $0xFFFFFF80  }
0x59: {  	[spmem:s2] =	stream.indirect.scatter.add.f32 [tilespmem:s12], [sflag:$0x1], $0x80, s3, s12, $0xb8;
	[tilespmem:$0x18080] =	vst v63  }
0x5a: {  	_ =	swait.ge [sflag:s13], $0x4000  }
0x5b: {  	s16 =	sadd.s32 $0x1, s16;
	[sflag:s13] =	ssyncset.done $0x0  }
0x5c: {  	p0 =	sne.s32 s16, s10;
	[sflag:s13] =	ssyncadd.s32 $0xFFFFC000  }
.Ltmp3:
0x5d: {  	[bflag:$0x0] =	sbarrier.arrive $0xFFFF;
	(pc) =	sbr.rel @p0 .LBB2_1-.Ltmp3, $4  }
0x5e: {  	[hbm:s9], [sflag:s14] =	dma.local [spmem:s15], $0x2800  }
0x5f: {  	_ =	swait.ge [sflag:s13], $0x2800  }
0x60: {  	[sflag:s13] =	ssyncset.done $0x0  }
0x61: {  	[sflag:s13] =	ssyncadd.s32 $0xFFFFD800  }
0x62: {  	_ =	sfence.sel $0x180000  }
0x63: {  	[bflag:$0x0] =	sbarrier.arrive $0xFFFF  }
0x64: {  	p0 =	sne.s32 s0, $0x0;
	_ =	strace $0x90000047  }
0x65: {  	s0 =	sadd.s32 @!p0 $0x100000, s1;
	[bflag:$0x2] =	sbarrier.arrive $0xFFFF  }
0x66: {  	[sflag:s0] =	ssyncadd.tile.s32 @!p0 $0x1;
	_ =	shalt  }
.Lfunc_end2:
_tile_overlayer_lowered:
.L_overlay_start_2:
0x67: {  	(tag) =	ssettag $0x2  }
0x68: {  	s0 =	rddreg [dreg:$0x0];
	s2 =	stileid.u32  }
0x69: {  	s1 =	rddreg [dreg:$0x1];
	p0 =	sne.s32 s2, $0x0  }
0x6a: {  	s3 =	rddreg [dreg:$0x2];
	[bflag:$0x3] =	sbarrier.arrive $0xFFFF;
	s2 =	simm.s32 @!p0 $0x1C01  }
0x6b: {  	[timem:s3], [sflag:s2] =	dma.local @!p0 [hbm:s0], s1  }
0x6c: {  	s0 =	simm.s32 @!p0 $0x1  }
0x6d: {  	_ =	swait.ge @!p0 [sflag:s0], s1  }
0x6e: {  	s1 =	ssub.s32 @!p0 $0x0, s1;
	[sflag:s0] =	ssyncset.done @!p0 $0x0  }
0x6f: {  	[sflag:s0] =	ssyncadd.s32 @!p0 s1  }
0x70: {  	[bflag:$0x3] =	sbarrier.arrive $0xFFFF  }
0x71: {  	_ =	shalt  }

// kernel: seg_sum.11.cloned.1.call-start
scs
__scs_entry_jumppad:
0x0: {  	(pc) =	sbr.rel $0x88, $3  }
0x1: {  	(tag) =	ssettag $0x0;
	lr =	simm.s32 $0x1  }
0x2: {  	[smem:$0x3F8B] =	sst lr;
	_ =	strace $0xD0000000  }
0x3: {  	_ = 	snop  }
0x4: {  	_ = 	snop  }
0x5: {  	_ = 	snop  }
0x6: {  	_ = 	snop  }
0x7: {  	_ = 	snop  }
__scs_overlays_trampoline_lowered:
0x8: {  	[smem:$0x3F9A] =	sst s0  }
0x9: {  	[smem:$0x3F9B] =	sst s1  }
0xa: {  	[smem:$0x3F9C] =	sst s2  }
0xb: {  	[smem:$0x3F9D] =	sst s3  }
0xc: {  	[smem:$0x3F9E] =	sst s4  }
0xd: {  	[smem:$0x3F9F] =	sst s5  }
0xe: {  	[smem:$0x3FA0] =	sst s6  }
0xf: {  	[smem:$0x3FA1] =	sst s7  }
0x10: {  	[smem:$0x3FA2] =	sst s8  }
0x11: {  	[smem:$0x3FA3] =	sst s9;
	s0 =	simm.s32 @!p0 $0x0  }
0x12: {  	s1 =	sld [smem:$0x3F89];
	s0 =	simm.s32 @p0 $0x1  }
0x13: {  	[smem:$0x3FA4] =	sst s0;
	s0 =	simm.s32 @!p1 $0x0  }
0x14: {  	s2 =	sld [smem:$0x3F88];
	s0 =	simm.s32 @p1 $0x1  }
0x15: {  	[smem:$0x3FA5] =	sst s0;
	s0 =	simm.s32 @!p2 $0x0  }
0x16: {  	s3 =	sld [smem:$0x3FDB];
	s0 =	simm.s32 @p2 $0x1  }
0x17: {  	s4 =	simm.s32 $0x1BF5;
	[smem:$0x3FA7] =	sst s0  }
0x18: {  	s0 =	sld [smem:$0x3F8A];
	_ =	swait.ge [sflag:s4], $0x0  }
0x19: {  	s7 =	sld [smem:$0x3F8B]  }
0x1a: {  	s8 =	sadd.s32 $0xFFFFE003, lr  }
0x1b: {  	s9 =	sadd.s32 $0xFFFFFEF7, lr;
	s5 =	simm.s32 $0xFFFFFFFF;
	p2 =	slt.u32 s8, $0xFFFFF086  }
0x1c: {  	p1 =	slt.u32 s9, $0xF7A;
	s5 =	simm.s32 @!p2 $0x0  }
0x1d: {  	s5 =	simm.s32 @p1 $0x1;
	p0 =	seq.s32 s7, s2  }
0x1e: {  	s7 =	smul.u32 @!p0 $0xF7A, s2;
	p2 =	seq.s32 @!p0 s5, $0x0  }
0x1f: {  	s9 =	smul.u32 $0xF7A, s1;
	s8 =	simm.s32 @!p0 $0x1BF5;
	p2 =	por !p2, p0  }
0x20: {  	[sflag:s8] =	ssyncset.s32 @!p0 $0xFFFFF086;
	s6 =	sadd.s32 @!p0 s3, s7;
	s7 =	simm.s32 @!p0 $0x108  }
0x21: {  	s3 =	sadd.s32 s3, s9;
	s6 =	sadd.s32 @!p0 $0x88, s6;
	s7 =	simm.s32 @p2 $0x1082  }
0x22: {  	[simem:s7], [sflag:s8] =	dma.local @!p0 [hbm:s6], $0xF7A  }
0x23: {  	s9 =	sor.u32 $0xD0000000, s2;
	s6 =	simm.s32 $0x108;
	_ =	swait.ge @!p0 [sflag:s8], $0x0  }
0x24: {  	s3 =	sadd.s32 $0x88, s3;
	s6 =	simm.s32 @!p1 $0x1082;
	[sflag:s4] =	ssyncset.s32 $0xFFFFF086  }
0x25: {  	[simem:s6], [sflag:s4] =	dma.local [hbm:s3], $0xF7A  }
0x26: {  	[smem:$0x3F8B] =	sst s1;
	(tag) =	ssettag s2;
	_ =	strace s9  }
0x27: {  	s1 =	sld [smem:$0x3F9B]  }
0x28: {  	s2 =	sld [smem:$0x3F9C]  }
0x29: {  	s4 =	sld [smem:$0x3F9E]  }
0x2a: {  	p0 =	seq.s32 s5, $0x0;
	s5 =	sld [smem:$0x3F9F]  }
0x2b: {  	s6 =	sld [smem:$0x3FA0]  }
0x2c: {  	s7 =	sld [smem:$0x3FA1]  }
0x2d: {  	s3 =	simm.s32 $0x108;
	s8 =	sld [smem:$0x3FA2]  }
0x2e: {  	s3 =	simm.s32 @!p0 $0x1082;
	s9 =	sld [smem:$0x3FA3]  }
0x2f: {  	lr =	sadd.s32 s0, s3;
	s0 =	sld [smem:$0x3F9A]  }
0x30: {  	s3 =	sld [smem:$0x3F9D]  }
0x31: {  	[smem:$0x3FA6] =	sst s10  }
0x32: {  	s10 =	sld [smem:$0x3FA4];
	_ =	sdelay $0x3  }
0x33: {  	p0 =	seq.s32 s10, $0x1;
	s10 =	sld [smem:$0x3FA6];
	_ =	sdelay $0x3  }
0x34: {  	[smem:$0x3FA6] =	sst s10  }
0x35: {  	s10 =	sld [smem:$0x3FA5];
	_ =	sdelay $0x3  }
0x36: {  	p1 =	seq.s32 s10, $0x1;
	s10 =	sld [smem:$0x3FA6];
	_ =	sdelay $0x3  }
0x37: {  	[smem:$0x3FA6] =	sst s10  }
0x38: {  	s10 =	sld [smem:$0x3FA7]  }
0x39: {  	_ = 	snop;
	(pc) =	sbr.ind lr, $3  }
0x3a: {  	_ = 	snop  }
0x3b: {  	_ = 	snop  }
0x3c: {  	p2 =	seq.s32 s10, $0x1;
	s10 =	sld [smem:$0x3FA6]  }
0x3d: {  	_ =	shalt  }
0x3e: {  	_ =	shalt  }
0x3f: {  	_ =	shalt  }
0x40: {  	_ =	shalt  }
0x41: {  	_ =	shalt  }
0x42: {  	_ =	shalt  }
0x43: {  	_ =	shalt  }
0x44: {  	_ =	shalt  }
0x45: {  	_ =	shalt  }
0x46: {  	_ =	shalt  }
0x47: {  	_ =	shalt  }
0x48: {  	_ =	shalt  }
0x49: {  	_ =	shalt  }
0x4a: {  	_ =	shalt  }
0x4b: {  	_ =	shalt  }
0x4c: {  	_ =	shalt  }
0x4d: {  	_ =	shalt  }
0x4e: {  	_ =	shalt  }
0x4f: {  	_ =	shalt  }
0x50: {  	_ =	shalt  }
0x51: {  	_ =	shalt  }
0x52: {  	_ =	shalt  }
0x53: {  	_ =	shalt  }
0x54: {  	_ =	shalt  }
0x55: {  	_ =	shalt  }
0x56: {  	_ =	shalt  }
0x57: {  	_ =	shalt  }
0x58: {  	_ =	shalt  }
0x59: {  	_ =	shalt  }
0x5a: {  	_ =	shalt  }
0x5b: {  	_ =	shalt  }
0x5c: {  	_ =	shalt  }
0x5d: {  	_ =	shalt  }
0x5e: {  	_ =	shalt  }
0x5f: {  	_ =	shalt  }
0x60: {  	_ =	shalt  }
0x61: {  	_ =	shalt  }
0x62: {  	_ =	shalt  }
0x63: {  	_ =	shalt  }
0x64: {  	_ =	shalt  }
0x65: {  	_ =	shalt  }
0x66: {  	_ =	shalt  }
0x67: {  	_ =	shalt  }
0x68: {  	_ =	shalt  }
0x69: {  	_ =	shalt  }
0x6a: {  	_ =	shalt  }
0x6b: {  	_ =	shalt  }
0x6c: {  	_ =	shalt  }
0x6d: {  	_ =	shalt  }
0x6e: {  	_ =	shalt  }
0x6f: {  	_ =	shalt  }
0x70: {  	_ =	shalt  }
0x71: {  	_ =	shalt  }
0x72: {  	_ =	shalt  }
0x73: {  	_ =	shalt  }
0x74: {  	_ =	shalt  }
0x75: {  	_ =	shalt  }
0x76: {  	_ =	shalt  }
0x77: {  	_ =	shalt  }
0x78: {  	_ =	shalt  }
0x79: {  	_ =	shalt  }
0x7a: {  	_ =	shalt  }
0x7b: {  	_ =	shalt  }
0x7c: {  	_ =	shalt  }
0x7d: {  	_ =	shalt  }
0x7e: {  	_ =	shalt  }
0x7f: {  	_ =	shalt  }
0x80: {  	_ =	shalt  }
0x81: {  	_ =	shalt  }
0x82: {  	_ =	shalt  }
0x83: {  	_ =	shalt  }
0x84: {  	_ =	shalt  }
0x85: {  	_ =	shalt  }
0x86: {  	_ =	shalt  }
0x87: {  	_ =	shalt  }
.Lfunc_end0:
.L_simem_size_0:
called_computation.3_lowered:
.L_overlay_start_0:
0x88: {  	s2 =	sld [smem:$0x3FD9]  }
0x89: {  	s3 =	sld [smem:$0x3FFE];
	_ =	sdelay $0x1  }
0x8a: {  	s1 =	srdreg.scid  }
0x8b: {  	s0 =	sand.u32 $0x1, s1  }
0x8c: {  	s16 =	sshll.u32 s0, $0xA;
	s2 =	sadd.s32 s3, s2  }
0x8d: {  	s2 =	sadd.s32 s2, s16  }
0x8e: {  	[smem:$0x3FB2] =	sst s2  }
0x8f: {  	_ = 	snop  }
0x90: {  	(tm) =	ssettm $0x1  }
0x91: {  	s17 =	sld [smem:$0x3FFB];
	_ =	sdelay $0x3  }
0x92: {  	_ =	strace s17  }
0x93: {  	s2 =	sld [smem:$0x3FFC];
	_ =	sdelay $0x3  }
0x94: {  	_ =	strace s2  }
0x95: {  	s2 =	sld [smem:$0x3FFD];
	_ =	sdelay $0x3  }
0x96: {  	_ =	strace s2  }
0x97: {  	_ =	strace $0x8FFFFFFF  }
0x98: {  	s18 =	sld [smem:$0x3FDB];
	_ =	sdelay $0x1  }
0x99: {  	s19 =	simm.s32 $_scs_section_size  }
0x9a: {  	s4 =	simm.s32 $_size__tile_overlayer_lowered;
	s5 =	simm.s32 $_tile_overlayer_lowered  }
0x9b: {  	s22 =	simm.s32 $0x1BFF;
	s21 =	sshll.u32 s5, $0x1;
	s2 =	sadd.s32 s19, s18  }
0x9c: {  	s6 =	simm.s32 $0x0;
	s20 =	sshll.u32 s4, $0x1;
	s4 =	sadd.s32 s21, s2  }
0x9d: {  	[timem:s6], [sflag:s22] =	dma.local [hbm:s4], s20  }
0x9e: {  	_ =	swait.ge [sflag:s22], s20  }
0x9f: {  	s3 =	ssub.s32 $0x0, s20;
	[sflag:s22] =	ssyncset.done $0x0  }
0xa0: {  	[sflag:s22] =	ssyncadd.s32 s3;
	_ =	sdelay $0x1  }
0xa1: {  	s23 =	simm.s32 $0x1B8B  }
0xa2: {  	_ =	swait.ge [sflag:s23], $0x1  }
0xa3: {  	[sflag:s23] =	ssyncset.done $0x0  }
0xa4: {  	s25 =	simm.s32 $0x1B8E;
	s24 =	sld [smem:$0x3FFE];
	[sflag:s23] =	ssyncadd.s32 $0xFFFFFFFF  }
0xa5: {  	s26 =	simm.s32 $execute0_lowered;
	[smem:$0x3FD2] =	sst s25  }
0xa6: {  	s4 =	sshll.u32 s26, $0x1;
	_ =	strace $0x8000004F;
	[dreg:$0x1] =	wrdreg $0xFFFFFFFF  }
0xa7: {  	s28 =	simm.s32 $_size_execute0_lowered;
	s2 =	sadd.s32 s2, s4;
	[dreg:$0x0] =	wrdreg $0x0  }
0xa8: {  	s4 =	sshll.u32 s28, $0x1;
	[dreg:$0x2] =	wrdreg s2  }
0xa9: {  	[dreg:$0x3] =	wrdreg s4  }
0xaa: {  	[dreg:$0x4] =	wrdreg $0xC0  }
0xab: {  	_ =	task [dreg:s6], $0x5FFFF  }
0xac: {  	[dreg:$0x1] =	wrdreg $0xFFFFFFFF  }
0xad: {  	[dreg:$0x0] =	wrdreg $0x60  }
0xae: {  	[dreg:$0x2] =	wrdreg s24  }
0xaf: {  	[dreg:$0x3] =	wrdreg $0x41000  }
0xb0: {  	[dreg:$0x4] =	wrdreg $0x9  }
0xb1: {  	_ =	task.clear_ibuf [dreg:s6], $0x5FFFF;
	_ =	strace $0x9000004F  }
0xb2: {  	s29 =	simm.s32 $0x9;
	_ =	strace $0x80000051  }
0xb3: {  	_ =	swait.ge [sflag:s29], $0x1  }
0xb4: {  	[sflag:s29] =	ssyncadd.s32 $0xFFFFFFFF  }
0xb5: {  	_ =	strace $0x90000051  }
0xb6: {  	_ =	sfence  }
0xb7: {  	s30 =	sld [smem:$0x0];
	_ =	sdelay $0x2  }
0xb8: {  	s31 =	sshll.u32 s1, $0xD;
	s1 =	sshrl.u32 s1, $0x2  }
0xb9: {  	s3 =	sand.u32 $0x4000, s31;
	s1 =	sadd.s32 s1, s30  }
0xba: {  	s0 =	sor.u32 s3, s0;
	s1 =	sshll.u32 s1, $0x11  }
0xbb: {  	s0 =	sor.u32 s1, s0  }
0xbc: {  	s0 =	sadd.s32 $0x8F2B, s0  }
0xbd: {  	[sflag:s0] =	ssyncadd.remote.s32 $0x1  }
0xbe: {  	_ =	sfence.sel $0xFFFF  }
0xbf: {  	[dreg:$0x0] =	wrdreg $0xFFFFFFFF;
	(pc) =	sbr.abs _section_cstart, $3  }
0xc0: {  	[dreg:$0x1] =	wrdreg $0xFFFFFFFF  }
0xc1: {  	_ =	task.clear_ibuf [dreg:s6], $0x2FFFF;
	_ =	strace $0x9FFFFFFF  }
0xc2: {  	(tm) =	ssettm $0x7FFFFFFF  }
0xc3: {  	_ =	shalt  }
tec
execute0_lowered:
.L_overlay_start_1:
0x0: {  	(tag) =	ssettag $0x1  }
0x1: {  	s5 =	rddreg [dreg:$0x0]  }
0x2: {  	s2 =	rddreg [dreg:$0x1]  }
0x3: {  	s0 =	rddreg [dreg:$0x2];
	s1 =	stileid.u32  }
0x4: {  	s4 =	srdreg.scid;
	s3 =	simm.s32 $0x0;
	s15 =	simm.s32 $0x2  }
0x5: {  	s16 =	simm.s32 $0x80;
	s17 =	simm.s32 $0x1;
	s6 =	smul.u32 $0x9E0, s1  }
0x6: {  	s20 =	simm.s32 $0x0;
	s7 =	sand.u32 $0x1, s4;
	s8 =	smul.u32 $0x2800, s1  }
0x7: {  	[smem:$0x7FF] =	sst s3;
	s10 =	smul.u32 $0x50000, s1;
	s4 =	sadd.s32 $0xDE00, s5  }
0x8: {  	s18 =	sshll.u32 s1, $0x6;
	s9 =	smul.u32 $0x28000, s7;
	_ =	strace $0x80000050  }
0x9: {  	s28 =	ssub.s32 $0x2, s7;
	s31 =	smul.u32 $0x4F0, s7;
	s18 =	sor.u32 $0x1C02, s18  }
0xa: {  	s11 =	sadd.s32 s6, s5;
	s29 =	sshrl.u32 s10, $0x2;
	s30 =	sshrl.u32 s28, $0x1  }
0xb: {  	s26 =	sadd.s32 s8, s9;
	s13 =	ssub.s32 s28, s30;
	s14 =	sadd.s32 s31, s11  }
0xc: {  	s12 =	sadd.s32 s26, s5;
	s5 =	sadd.s32 s29, s2;
	s11 =	smax.u32 s13, $0x1  }
0xd: {  	s13 =	sadd.s32 $0x5DE00, s14;
	s6 =	sadd.s32 $0x4000, s5;
	s7 =	sadd.s32 $0x8000, s5  }
0xe: {  	s8 =	sadd.s32 $0xC000, s5;
	s9 =	sadd.s32 $0x10000, s5;
	s10 =	sadd.s32 $0x67C00, s12  }
0xf: {  	v0 =	vimm.f32 $0.0e+00;
	s12 =	sadd.s32 $0x4000, s14;
	s14 =	simm.s32 $0x100;
	s19 =	sshrl.u32 s5, $0x3  }
.LBB2_1:
0x10: {  	s21 =	simm.s32 $0x0;
	s22 =	simm.s32 $0x200  }
.LBB2_2:
0x11: {  	p0 =	sne.s32 s22, $0xFE00;
	[tilespmem:s21+$0x170] =	vst v0  }
0x12: {  	[tilespmem:s21+$0x100] =	vst v0  }
0x13: {  	[tilespmem:s21+$0x110] =	vst v0  }
.Ltmp0:
0x14: {  	[tilespmem:s21+$0x120] =	vst v0;
	(pc) =	sbr.rel @p0 .LBB2_2-.Ltmp0, $4  }
0x15: {  	[tilespmem:s21+$0x130] =	vst v0  }
0x16: {  	[tilespmem:s21+$0x140] =	vst v0  }
0x17: {  	[tilespmem:s21+$0x150] =	vst v0  }
0x18: {  	[tilespmem:s21+$0x160] =	vst v0;
	s21 =	sshra.s32 s22, $0x2;
	s22 =	sadd.s32 $0x200, s22  }
0x19: {  	[tilespmem:s21+$0x170] =	vst v0  }
0x1a: {  	[tilespmem:s21+$0x100] =	vst v0  }
0x1b: {  	[tilespmem:s21+$0x110] =	vst v0  }
0x1c: {  	[tilespmem:s21+$0x120] =	vst v0  }
0x1d: {  	[tilespmem:s21+$0x130] =	vst v0  }
0x1e: {  	[tilespmem:s21+$0x140] =	vst v0  }
0x1f: {  	[tilespmem:s21+$0x150] =	vst v0  }
0x20: {  	[tilespmem:s21+$0x160] =	vst v0  }
0x21: {  	[spmem:s5] =	stream.linear.scatter [tilespmem:s14], [sflag:$0x2], $0x4000, $0x38;
	[tilespmem:$0x18100] =	vst v63  }
0x22: {  	_ =	swait.ge [sflag:s15], $0x4000  }
0x23: {  	[sflag:s15] =	ssyncset.done $0x0  }
0x24: {  	[sflag:s15] =	ssyncadd.s32 $0xFFFFC000  }
0x25: {  	[spmem:s6] =	stream.linear.scatter [tilespmem:s14], [sflag:$0x2], $0x4000, $0x38;
	[tilespmem:$0x18100] =	vst v63  }
0x26: {  	_ =	swait.ge [sflag:s15], $0x4000  }
0x27: {  	[sflag:s15] =	ssyncset.done $0x0  }
0x28: {  	[sflag:s15] =	ssyncadd.s32 $0xFFFFC000  }
0x29: {  	[spmem:s7] =	stream.linear.scatter [tilespmem:s14], [sflag:$0x2], $0x4000, $0x38;
	[tilespmem:$0x18100] =	vst v63  }
0x2a: {  	_ =	swait.ge [sflag:s15], $0x4000  }
0x2b: {  	[sflag:s15] =	ssyncset.done $0x0  }
0x2c: {  	[sflag:s15] =	ssyncadd.s32 $0xFFFFC000  }
0x2d: {  	[spmem:s8] =	stream.linear.scatter [tilespmem:s14], [sflag:$0x2], $0x4000, $0x38;
	[tilespmem:$0x18100] =	vst v63  }
0x2e: {  	_ =	swait.ge [sflag:s15], $0x4000  }
0x2f: {  	[sflag:s15] =	ssyncset.done $0x0  }
0x30: {  	[sflag:s15] =	ssyncadd.s32 $0xFFFFC000  }
0x31: {  	[spmem:s9] =	stream.linear.scatter [tilespmem:s14], [sflag:$0x2], $0x4000, $0x38;
	[tilespmem:$0x18100] =	vst v63  }
0x32: {  	_ =	swait.ge [sflag:s15], $0x4000  }
0x33: {  	[sflag:s15] =	ssyncset.done $0x0  }
0x34: {  	[sflag:s15] =	ssyncadd.s32 $0xFFFFC000  }
0x35: {  	s30 =	sadd.s32 $0x0, s13;
	[bflag:$0x0] =	sbarrier.arrive $0xFFFF  }
0x36: {  	[tilespmem:s3], [sflag:$0x2] =	stream.linear.gather [hbm4b:s30+s3], $0x80, $0x38;
	[tilespmem:$0x18100] =	vst v63  }
0x37: {  	_ =	swait.ge [sflag:s15], $0x80  }
0x38: {  	[sflag:s15] =	ssyncset.done $0x0  }
0x39: {  	s31 =	sadd.s32 $0x0, s12;
	[sflag:s15] =	ssyncadd.s32 $0xFFFFFF80  }
0x3a: {  	[tilespmem:s16], [sflag:$0x2] =	stream.linear.gather [hbm4b:s31+s3], $0x80, $0x38;
	[tilespmem:$0x18100] =	vst v63  }
0x3b: {  	_ =	swait.ge [sflag:s15], $0x80  }
0x3c: {  	[sflag:s15] =	ssyncset.done $0x0  }
0x3d: {  	[sflag:s15] =	ssyncadd.s32 $0xFFFFFF80  }
0x3e: {  	[tilespmem:s14], [sflag:$0x1] =	stream.indirect.gather [hbm4b:s4+s16], $0x80, s3, s16, $0xb8;
	[tilespmem:$0x18100] =	vst v63  }
0x3f: {  	_ =	swait.ge [sflag:s17], $0x4000  }
0x40: {  	[sflag:s17] =	ssyncset.done $0x0  }
0x41: {  	[sflag:s17] =	ssyncadd.s32 $0xFFFFC000  }
0x42: {  	[spmem:s2] =	stream.indirect.scatter.add.f32 [tilespmem:s14], [sflag:$0x2], $0x80, s16, s16, $0xb8;
	[tilespmem:$0x18100] =	vst v63  }
0x43: {  	_ =	swait.ge [sflag:s15], $0x4000  }
0x44: {  	s21 =	simm.s32 $0x10;
	s22 =	simm.s32 $0x20;
	[sflag:s15] =	ssyncset.done $0x0  }
.LBB2_4:
0x45: {  	s23 =	sadd.s32 s21, s13  }
0x46: {  	[sflag:s15] =	ssyncadd.s32 $0xFFFFC000;
	s24 =	smov.u32 s22;
	s25 =	sadd.s32 $0x10, s22  }
0x47: {  	[tilespmem:s3], [sflag:$0x2] =	stream.linear.gather [hbm4b:s23+s3], $0x80, $0x38;
	[tilespmem:$0x18100] =	vst v63  }
0x48: {  	p0 =	sne.s32 s22, $0x4E0;
	_ =	swait.ge [sflag:s15], $0x80  }
0x49: {  	[sflag:s15] =	ssyncset.done $0x0  }
0x4a: {  	s22 =	sadd.s32 s21, s12;
	s21 =	smov.u32 s24;
	[sflag:s15] =	ssyncadd.s32 $0xFFFFFF80  }
0x4b: {  	[tilespmem:s16], [sflag:$0x2] =	stream.linear.gather [hbm4b:s22+s3], $0x80, $0x38;
	[tilespmem:$0x18100] =	vst v63  }
0x4c: {  	_ =	swait.ge [sflag:s15], $0x80  }
0x4d: {  	[sflag:s15] =	ssyncset.done $0x0  }
0x4e: {  	[sflag:s15] =	ssyncadd.s32 $0xFFFFFF80  }
0x4f: {  	[tilespmem:s14], [sflag:$0x1] =	stream.indirect.gather [hbm4b:s4+s16], $0x80, s3, s16, $0xb8;
	[tilespmem:$0x18100] =	vst v63  }
0x50: {  	_ =	swait.ge [sflag:s17], $0x4000  }
.Ltmp1:
0x51: {  	[sflag:s17] =	ssyncset.done $0x0;
	(pc) =	sbr.rel @p0 .LBB2_4-.Ltmp1, $4  }
0x52: {  	[sflag:s17] =	ssyncadd.s32 $0xFFFFC000  }
0x53: {  	[spmem:s2] =	stream.indirect.scatter.add.f32 [tilespmem:s14], [sflag:$0x2], $0x80, s16, s16, $0xb8;
	[tilespmem:$0x18100] =	vst v63  }
0x54: {  	_ =	swait.ge [sflag:s15], $0x4000  }
0x55: {  	s22 =	smov.u32 s25;
	[sflag:s15] =	ssyncset.done $0x0  }
0x56: {  	s22 =	sadd.s32 s21, s13;
	[sflag:s15] =	ssyncadd.s32 $0xFFFFC000  }
0x57: {  	[tilespmem:s3], [sflag:$0x2] =	stream.linear.gather [hbm4b:s22+s3], $0x80, $0x38;
	[tilespmem:$0x18100] =	vst v63  }
0x58: {  	_ =	swait.ge [sflag:s15], $0x80  }
0x59: {  	[sflag:s15] =	ssyncset.done $0x0  }
0x5a: {  	s31 =	sadd.s32 s21, s12;
	[sflag:s15] =	ssyncadd.s32 $0xFFFFFF80  }
0x5b: {  	[tilespmem:s16], [sflag:$0x2] =	stream.linear.gather [hbm4b:s31+s3], $0x80, $0x38;
	[tilespmem:$0x18100] =	vst v63  }
0x5c: {  	_ =	swait.ge [sflag:s15], $0x80  }
0x5d: {  	[sflag:s15] =	ssyncset.done $0x0  }
0x5e: {  	[sflag:s15] =	ssyncadd.s32 $0xFFFFFF80  }
0x5f: {  	[tilespmem:s14], [sflag:$0x1] =	stream.indirect.gather [hbm4b:s4+s16], $0x80, s3, s16, $0xb8;
	[tilespmem:$0x18100] =	vst v63  }
0x60: {  	_ =	swait.ge [sflag:s17], $0x4000  }
0x61: {  	[sflag:s17] =	ssyncset.done $0x0  }
0x62: {  	[sflag:s17] =	ssyncadd.s32 $0xFFFFC000  }
0x63: {  	[spmem:s2] =	stream.indirect.scatter.add.f32 [tilespmem:s14], [sflag:$0x2], $0x80, s16, s16, $0xb8;
	[tilespmem:$0x18100] =	vst v63  }
0x64: {  	_ =	swait.ge [sflag:s15], $0x4000  }
0x65: {  	s20 =	sadd.s32 $0x1, s20;
	[sflag:s15] =	ssyncset.done $0x0  }
0x66: {  	p0 =	sne.s32 s20, s11;
	[sflag:s15] =	ssyncadd.s32 $0xFFFFC000  }
.Ltmp2:
0x67: {  	[bflag:$0x0] =	sbarrier.arrive $0xFFFF;
	(pc) =	sbr.rel @p0 .LBB2_1-.Ltmp2, $4  }
0x68: {  	[hbm:s10], [sflag:s18] =	dma.local [spmem:s19], $0x2800  }
0x69: {  	_ =	swait.ge [sflag:s15], $0x2800  }
0x6a: {  	[sflag:s15] =	ssyncset.done $0x0  }
0x6b: {  	[sflag:s15] =	ssyncadd.s32 $0xFFFFD800  }
0x6c: {  	_ =	sfence.sel $0x180000  }
0x6d: {  	[bflag:$0x0] =	sbarrier.arrive $0xFFFF  }
0x6e: {  	p0 =	sne.s32 s1, $0x0;
	_ =	strace $0x90000050  }
0x6f: {  	s0 =	sadd.s32 @!p0 $0x100000, s0;
	[bflag:$0x2] =	sbarrier.arrive $0xFFFF  }
0x70: {  	[sflag:s0] =	ssyncadd.tile.s32 @!p0 $0x1;
	_ =	shalt  }
.Lfunc_end2:
_tile_overlayer_lowered:
.L_overlay_start_2:
0x71: {  	(tag) =	ssettag $0x2  }
0x72: {  	s0 =	rddreg [dreg:$0x0];
	s2 =	stileid.u32  }
0x73: {  	s1 =	rddreg [dreg:$0x1];
	p0 =	sne.s32 s2, $0x0  }
0x74: {  	s3 =	rddreg [dreg:$0x2];
	[bflag:$0x3] =	sbarrier.arrive $0xFFFF;
	s2 =	simm.s32 @!p0 $0x1C02  }
0x75: {  	[timem:s3], [sflag:s2] =	dma.local @!p0 [hbm:s0], s1  }
0x76: {  	s0 =	simm.s32 @!p0 $0x2  }
0x77: {  	_ =	swait.ge @!p0 [sflag:s0], s1  }
0x78: {  	s1 =	ssub.s32 @!p0 $0x0, s1;
	[sflag:s0] =	ssyncset.done @!p0 $0x0  }
0x79: {  	[sflag:s0] =	ssyncadd.s32 @!p0 s1  }
0x7a: {  	[bflag:$0x3] =	sbarrier.arrive $0xFFFF  }
0x7b: {  	_ =	shalt  }

// kernel: seg_sum.5.cloned.1.call-start
scs
__scs_entry_jumppad:
0x0: {  	(pc) =	sbr.rel $0x88, $3  }
0x1: {  	(tag) =	ssettag $0x0;
	lr =	simm.s32 $0x1  }
0x2: {  	[smem:$0x3F8B] =	sst lr;
	_ =	strace $0xD0000000  }
0x3: {  	_ = 	snop  }
0x4: {  	_ = 	snop  }
0x5: {  	_ = 	snop  }
0x6: {  	_ = 	snop  }
0x7: {  	_ = 	snop  }
__scs_overlays_trampoline_lowered:
0x8: {  	[smem:$0x3F9A] =	sst s0  }
0x9: {  	[smem:$0x3F9B] =	sst s1  }
0xa: {  	[smem:$0x3F9C] =	sst s2  }
0xb: {  	[smem:$0x3F9D] =	sst s3  }
0xc: {  	[smem:$0x3F9E] =	sst s4  }
0xd: {  	[smem:$0x3F9F] =	sst s5  }
0xe: {  	[smem:$0x3FA0] =	sst s6  }
0xf: {  	[smem:$0x3FA1] =	sst s7  }
0x10: {  	[smem:$0x3FA2] =	sst s8  }
0x11: {  	[smem:$0x3FA3] =	sst s9;
	s0 =	simm.s32 @!p0 $0x0  }
0x12: {  	s1 =	sld [smem:$0x3F89];
	s0 =	simm.s32 @p0 $0x1  }
0x13: {  	[smem:$0x3FA4] =	sst s0;
	s0 =	simm.s32 @!p1 $0x0  }
0x14: {  	s2 =	sld [smem:$0x3F88];
	s0 =	simm.s32 @p1 $0x1  }
0x15: {  	[smem:$0x3FA5] =	sst s0;
	s0 =	simm.s32 @!p2 $0x0  }
0x16: {  	s3 =	sld [smem:$0x3FDB];
	s0 =	simm.s32 @p2 $0x1  }
0x17: {  	s4 =	simm.s32 $0x1BF5;
	[smem:$0x3FA7] =	sst s0  }
0x18: {  	s0 =	sld [smem:$0x3F8A];
	_ =	swait.ge [sflag:s4], $0x0  }
0x19: {  	s7 =	sld [smem:$0x3F8B]  }
0x1a: {  	s8 =	sadd.s32 $0xFFFFE003, lr  }
0x1b: {  	s9 =	sadd.s32 $0xFFFFFEF7, lr;
	s5 =	simm.s32 $0xFFFFFFFF;
	p2 =	slt.u32 s8, $0xFFFFF086  }
0x1c: {  	p1 =	slt.u32 s9, $0xF7A;
	s5 =	simm.s32 @!p2 $0x0  }
0x1d: {  	s5 =	simm.s32 @p1 $0x1;
	p0 =	seq.s32 s7, s2  }
0x1e: {  	s7 =	smul.u32 @!p0 $0xF7A, s2;
	p2 =	seq.s32 @!p0 s5, $0x0  }
0x1f: {  	s9 =	smul.u32 $0xF7A, s1;
	s8 =	simm.s32 @!p0 $0x1BF5;
	p2 =	por !p2, p0  }
0x20: {  	[sflag:s8] =	ssyncset.s32 @!p0 $0xFFFFF086;
	s6 =	sadd.s32 @!p0 s3, s7;
	s7 =	simm.s32 @!p0 $0x108  }
0x21: {  	s3 =	sadd.s32 s3, s9;
	s6 =	sadd.s32 @!p0 $0x88, s6;
	s7 =	simm.s32 @p2 $0x1082  }
0x22: {  	[simem:s7], [sflag:s8] =	dma.local @!p0 [hbm:s6], $0xF7A  }
0x23: {  	s9 =	sor.u32 $0xD0000000, s2;
	s6 =	simm.s32 $0x108;
	_ =	swait.ge @!p0 [sflag:s8], $0x0  }
0x24: {  	s3 =	sadd.s32 $0x88, s3;
	s6 =	simm.s32 @!p1 $0x1082;
	[sflag:s4] =	ssyncset.s32 $0xFFFFF086  }
0x25: {  	[simem:s6], [sflag:s4] =	dma.local [hbm:s3], $0xF7A  }
0x26: {  	[smem:$0x3F8B] =	sst s1;
	(tag) =	ssettag s2;
	_ =	strace s9  }
0x27: {  	s1 =	sld [smem:$0x3F9B]  }
0x28: {  	s2 =	sld [smem:$0x3F9C]  }
0x29: {  	s4 =	sld [smem:$0x3F9E]  }
0x2a: {  	p0 =	seq.s32 s5, $0x0;
	s5 =	sld [smem:$0x3F9F]  }
0x2b: {  	s6 =	sld [smem:$0x3FA0]  }
0x2c: {  	s7 =	sld [smem:$0x3FA1]  }
0x2d: {  	s3 =	simm.s32 $0x108;
	s8 =	sld [smem:$0x3FA2]  }
0x2e: {  	s3 =	simm.s32 @!p0 $0x1082;
	s9 =	sld [smem:$0x3FA3]  }
0x2f: {  	lr =	sadd.s32 s0, s3;
	s0 =	sld [smem:$0x3F9A]  }
0x30: {  	s3 =	sld [smem:$0x3F9D]  }
0x31: {  	[smem:$0x3FA6] =	sst s10  }
0x32: {  	s10 =	sld [smem:$0x3FA4];
	_ =	sdelay $0x3  }
0x33: {  	p0 =	seq.s32 s10, $0x1;
	s10 =	sld [smem:$0x3FA6];
	_ =	sdelay $0x3  }
0x34: {  	[smem:$0x3FA6] =	sst s10  }
0x35: {  	s10 =	sld [smem:$0x3FA5];
	_ =	sdelay $0x3  }
0x36: {  	p1 =	seq.s32 s10, $0x1;
	s10 =	sld [smem:$0x3FA6];
	_ =	sdelay $0x3  }
0x37: {  	[smem:$0x3FA6] =	sst s10  }
0x38: {  	s10 =	sld [smem:$0x3FA7]  }
0x39: {  	_ = 	snop;
	(pc) =	sbr.ind lr, $3  }
0x3a: {  	_ = 	snop  }
0x3b: {  	_ = 	snop  }
0x3c: {  	p2 =	seq.s32 s10, $0x1;
	s10 =	sld [smem:$0x3FA6]  }
0x3d: {  	_ =	shalt  }
0x3e: {  	_ =	shalt  }
0x3f: {  	_ =	shalt  }
0x40: {  	_ =	shalt  }
0x41: {  	_ =	shalt  }
0x42: {  	_ =	shalt  }
0x43: {  	_ =	shalt  }
0x44: {  	_ =	shalt  }
0x45: {  	_ =	shalt  }
0x46: {  	_ =	shalt  }
0x47: {  	_ =	shalt  }
0x48: {  	_ =	shalt  }
0x49: {  	_ =	shalt  }
0x4a: {  	_ =	shalt  }
0x4b: {  	_ =	shalt  }
0x4c: {  	_ =	shalt  }
0x4d: {  	_ =	shalt  }
0x4e: {  	_ =	shalt  }
0x4f: {  	_ =	shalt  }
0x50: {  	_ =	shalt  }
0x51: {  	_ =	shalt  }
0x52: {  	_ =	shalt  }
0x53: {  	_ =	shalt  }
0x54: {  	_ =	shalt  }
0x55: {  	_ =	shalt  }
0x56: {  	_ =	shalt  }
0x57: {  	_ =	shalt  }
0x58: {  	_ =	shalt  }
0x59: {  	_ =	shalt  }
0x5a: {  	_ =	shalt  }
0x5b: {  	_ =	shalt  }
0x5c: {  	_ =	shalt  }
0x5d: {  	_ =	shalt  }
0x5e: {  	_ =	shalt  }
0x5f: {  	_ =	shalt  }
0x60: {  	_ =	shalt  }
0x61: {  	_ =	shalt  }
0x62: {  	_ =	shalt  }
0x63: {  	_ =	shalt  }
0x64: {  	_ =	shalt  }
0x65: {  	_ =	shalt  }
0x66: {  	_ =	shalt  }
0x67: {  	_ =	shalt  }
0x68: {  	_ =	shalt  }
0x69: {  	_ =	shalt  }
0x6a: {  	_ =	shalt  }
0x6b: {  	_ =	shalt  }
0x6c: {  	_ =	shalt  }
0x6d: {  	_ =	shalt  }
0x6e: {  	_ =	shalt  }
0x6f: {  	_ =	shalt  }
0x70: {  	_ =	shalt  }
0x71: {  	_ =	shalt  }
0x72: {  	_ =	shalt  }
0x73: {  	_ =	shalt  }
0x74: {  	_ =	shalt  }
0x75: {  	_ =	shalt  }
0x76: {  	_ =	shalt  }
0x77: {  	_ =	shalt  }
0x78: {  	_ =	shalt  }
0x79: {  	_ =	shalt  }
0x7a: {  	_ =	shalt  }
0x7b: {  	_ =	shalt  }
0x7c: {  	_ =	shalt  }
0x7d: {  	_ =	shalt  }
0x7e: {  	_ =	shalt  }
0x7f: {  	_ =	shalt  }
0x80: {  	_ =	shalt  }
0x81: {  	_ =	shalt  }
0x82: {  	_ =	shalt  }
0x83: {  	_ =	shalt  }
0x84: {  	_ =	shalt  }
0x85: {  	_ =	shalt  }
0x86: {  	_ =	shalt  }
0x87: {  	_ =	shalt  }
.Lfunc_end0:
.L_simem_size_0:
called_computation.1_lowered:
.L_overlay_start_0:
0x88: {  	s2 =	sld [smem:$0x3FD9]  }
0x89: {  	s3 =	sld [smem:$0x3FFE];
	_ =	sdelay $0x1  }
0x8a: {  	s1 =	srdreg.scid  }
0x8b: {  	s0 =	sand.u32 $0x1, s1  }
0x8c: {  	s17 =	sshll.u32 s0, $0xA;
	s2 =	sadd.s32 s3, s2  }
0x8d: {  	s2 =	sadd.s32 s2, s17  }
0x8e: {  	[smem:$0x3FB2] =	sst s2  }
0x8f: {  	_ = 	snop  }
0x90: {  	s18 =	sld [smem:$0x3FC9];
	(tm) =	ssettm $0x1  }
0x91: {  	s19 =	sld [smem:$0x3FFB];
	_ =	sdelay $0x3  }
0x92: {  	_ =	strace s19  }
0x93: {  	s2 =	sld [smem:$0x3FFC];
	_ =	sdelay $0x3  }
0x94: {  	_ =	strace s2  }
0x95: {  	s2 =	sld [smem:$0x3FFD];
	_ =	sdelay $0x3  }
0x96: {  	_ =	strace s2  }
0x97: {  	_ =	strace $0x8FFFFFFF  }
0x98: {  	s20 =	sld [smem:$0x3FDB];
	_ =	sdelay $0x1  }
0x99: {  	s4 =	simm.s32 $_scs_section_size  }
0x9a: {  	s5 =	simm.s32 $_size__tile_overlayer_lowered;
	s6 =	simm.s32 $_tile_overlayer_lowered  }
0x9b: {  	s7 =	simm.s32 $0x1BFF;
	s21 =	sshll.u32 s6, $0x1;
	s4 =	sadd.s32 s4, s20  }
0x9c: {  	s22 =	simm.s32 $0x0;
	s5 =	sshll.u32 s5, $0x1;
	s6 =	sadd.s32 s21, s4  }
0x9d: {  	[timem:s22], [sflag:s7] =	dma.local [hbm:s6], s5  }
0x9e: {  	_ =	swait.ge [sflag:s7], s5  }
0x9f: {  	s5 =	ssub.s32 $0x0, s5;
	[sflag:s7] =	ssyncset.done $0x0  }
0xa0: {  	[sflag:s7] =	ssyncadd.s32 s5;
	_ =	sdelay $0x1  }
0xa1: {  	s23 =	simm.s32 $0x1B8B  }
0xa2: {  	_ =	swait.ge [sflag:s23], $0x1  }
0xa3: {  	[sflag:s23] =	ssyncset.done $0x0  }
0xa4: {  	[sflag:s23] =	ssyncadd.s32 $0xFFFFFFFF  }
0xa5: {  	s5 =	sld [smem:$0x0]  }
0xa6: {  	s6 =	sand.u32 $0xFFFFFFFE, s1  }
0xa7: {  	p0 =	sne.s32 s1, s6  }
0xa8: {  	s6 =	sshll.u32 @p0 s6, $0xE  }
0xa9: {  	s6 =	sadd.s32 @p0 $0x11B8D, s6;
	s7 =	sshll.u32 @p0 s5, $0x11  }
0xaa: {  	s6 =	sor.u32 @p0 s7, s6  }
0xab: {  	[sflag:s6] =	ssyncadd.remote.s32 @p0 $0x1;
	_ =	sdelay $0x1  }
0xac: {  	s6 =	simm.s32 @p0 $0x1B8D  }
0xad: {  	_ =	swait.eq @p0 [sflag:s6], $0x1  }
0xae: {  	[sflag:s6] =	ssyncadd.s32 @p0 $0xFFFFFFFF  }
0xaf: {  	s7 =	sshll.u32 @!p0 s1, $0xE  }
0xb0: {  	s7 =	sor.u32 @!p0 $0x4000, s7;
	s6 =	simm.s32 @!p0 $0x1B8D  }
0xb1: {  	s5 =	sshll.u32 @!p0 s5, $0x11;
	s7 =	sadd.s32 @!p0 $0x11B8D, s7;
	_ =	swait.eq @!p0 [sflag:s6], $0x1  }
0xb2: {  	s5 =	sor.u32 @!p0 s5, s7;
	[sflag:s6] =	ssyncadd.s32 @!p0 $0xFFFFFFFF  }
0xb3: {  	s25 =	simm.s32 $0x1B8E;
	s24 =	sld [smem:$0x3FFE];
	[sflag:s5] =	ssyncadd.remote.s32 @!p0 $0x1  }
0xb4: {  	s26 =	simm.s32 $execute0_lowered;
	[smem:$0x3FD2] =	sst s25  }
0xb5: {  	s6 =	sshll.u32 s26, $0x1;
	_ =	strace $0x80000049;
	[dreg:$0x1] =	wrdreg $0xFFFFFFFF  }
0xb6: {  	s28 =	simm.s32 $_size_execute0_lowered;
	s4 =	sadd.s32 s4, s6;
	[dreg:$0x0] =	wrdreg $0x0  }
0xb7: {  	s6 =	sshll.u32 s28, $0x1;
	[dreg:$0x2] =	wrdreg s4  }
0xb8: {  	[dreg:$0x3] =	wrdreg s6  }
0xb9: {  	[dreg:$0x4] =	wrdreg $0xC0  }
0xba: {  	_ =	task [dreg:s22], $0x5FFFF  }
0xbb: {  	[dreg:$0x1] =	wrdreg $0xFFFFFFFF  }
0xbc: {  	[dreg:$0x0] =	wrdreg $0x60  }
0xbd: {  	[dreg:$0x2] =	wrdreg s18  }
0xbe: {  	[dreg:$0x3] =	wrdreg s24  }
0xbf: {  	[dreg:$0x4] =	wrdreg $0x41000  }
0xc0: {  	[dreg:$0x5] =	wrdreg $0xA  }
0xc1: {  	_ =	task.clear_ibuf [dreg:s22], $0x6FFFF;
	_ =	strace $0x90000049  }
0xc2: {  	s29 =	simm.s32 $0xA;
	_ =	strace $0x8000004B  }
0xc3: {  	_ =	swait.ge [sflag:s29], $0x1  }
0xc4: {  	[sflag:s29] =	ssyncadd.s32 $0xFFFFFFFF  }
0xc5: {  	_ =	strace $0x9000004B  }
0xc6: {  	_ =	sfence  }
0xc7: {  	s30 =	sld [smem:$0x0];
	_ =	sdelay $0x2  }
0xc8: {  	s31 =	sshll.u32 s1, $0xD;
	s1 =	sshrl.u32 s1, $0x2  }
0xc9: {  	s4 =	sand.u32 $0x4000, s31;
	s1 =	sadd.s32 s1, s30  }
0xca: {  	s0 =	sor.u32 s4, s0;
	s1 =	sshll.u32 s1, $0x11  }
0xcb: {  	s0 =	sor.u32 s1, s0  }
0xcc: {  	s0 =	sadd.s32 $0x8F2B, s0  }
0xcd: {  	[sflag:s0] =	ssyncadd.remote.s32 $0x1  }
0xce: {  	_ =	sfence.sel $0xFFFF  }
0xcf: {  	[dreg:$0x0] =	wrdreg $0xFFFFFFFF;
	(pc) =	sbr.abs _section_cstart, $3  }
0xd0: {  	[dreg:$0x1] =	wrdreg $0xFFFFFFFF  }
0xd1: {  	_ =	task.clear_ibuf [dreg:s22], $0x2FFFF;
	_ =	strace $0x9FFFFFFF  }
0xd2: {  	(tm) =	ssettm $0x7FFFFFFF  }
0xd3: {  	_ =	shalt  }
tec
execute0_lowered:
.L_overlay_start_1:
0x0: {  	(tag) =	ssettag $0x1  }
0x1: {  	s1 =	rddreg [dreg:$0x0]  }
0x2: {  	s5 =	rddreg [dreg:$0x1]  }
0x3: {  	s0 =	stileid.u32;
	s2 =	srdreg.scid  }
0x4: {  	s3 =	rddreg [dreg:$0x2];
	s4 =	simm.s32 $0x0;
	s15 =	simm.s32 $0x2  }
0x5: {  	s16 =	simm.s32 $0x80;
	s17 =	simm.s32 $0x1;
	s6 =	smul.u32 $0x9E0, s0  }
0x6: {  	s7 =	sand.u32 $0x1, s2;
	s8 =	smul.u32 $0x2800, s0;
	s2 =	rddreg [dreg:$0x3]  }
0x7: {  	s20 =	simm.s32 $0x0;
	[smem:$0x7FF] =	sst s4;
	s10 =	smul.u32 $0x50000, s0  }
0x8: {  	s18 =	sshll.u32 s0, $0x6;
	s9 =	smul.u32 $0x28000, s7;
	_ =	strace $0x8000004A  }
0x9: {  	s28 =	ssub.s32 $0x2, s7;
	s31 =	smul.u32 $0x4F0, s7;
	s18 =	sor.u32 $0x1C02, s18  }
0xa: {  	s11 =	sadd.s32 s6, s5;
	s29 =	sshrl.u32 s10, $0x2;
	s30 =	sshrl.u32 s28, $0x1  }
0xb: {  	s26 =	sadd.s32 s8, s9;
	s13 =	ssub.s32 s28, s30;
	s14 =	sadd.s32 s31, s11  }
0xc: {  	s12 =	sadd.s32 s26, s5;
	s5 =	sadd.s32 s29, s3;
	s11 =	smax.u32 s13, $0x1  }
0xd: {  	s13 =	sadd.s32 $0x5DE00, s14;
	s6 =	sadd.s32 $0x4000, s5;
	s7 =	sadd.s32 $0x8000, s5  }
0xe: {  	s8 =	sadd.s32 $0xC000, s5;
	s9 =	sadd.s32 $0x10000, s5;
	s10 =	sadd.s32 $0x67C00, s12  }
0xf: {  	v0 =	vimm.f32 $0.0e+00;
	s12 =	sadd.s32 $0x4000, s14;
	s14 =	simm.s32 $0x100;
	s19 =	sshrl.u32 s5, $0x3  }
.LBB2_1:
0x10: {  	s21 =	simm.s32 $0x0;
	s22 =	simm.s32 $0x200  }
.LBB2_2:
0x11: {  	p0 =	sne.s32 s22, $0xFE00;
	[tilespmem:s21+$0x170] =	vst v0  }
0x12: {  	[tilespmem:s21+$0x100] =	vst v0  }
0x13: {  	[tilespmem:s21+$0x110] =	vst v0  }
.Ltmp0:
0x14: {  	[tilespmem:s21+$0x120] =	vst v0;
	(pc) =	sbr.rel @p0 .LBB2_2-.Ltmp0, $4  }
0x15: {  	[tilespmem:s21+$0x130] =	vst v0  }
0x16: {  	[tilespmem:s21+$0x140] =	vst v0  }
0x17: {  	[tilespmem:s21+$0x150] =	vst v0  }
0x18: {  	[tilespmem:s21+$0x160] =	vst v0;
	s21 =	sshra.s32 s22, $0x2;
	s22 =	sadd.s32 $0x200, s22  }
0x19: {  	[tilespmem:s21+$0x170] =	vst v0  }
0x1a: {  	[tilespmem:s21+$0x100] =	vst v0  }
0x1b: {  	[tilespmem:s21+$0x110] =	vst v0  }
0x1c: {  	[tilespmem:s21+$0x120] =	vst v0  }
0x1d: {  	[tilespmem:s21+$0x130] =	vst v0  }
0x1e: {  	[tilespmem:s21+$0x140] =	vst v0  }
0x1f: {  	[tilespmem:s21+$0x150] =	vst v0  }
0x20: {  	[tilespmem:s21+$0x160] =	vst v0  }
0x21: {  	[spmem:s5] =	stream.linear.scatter [tilespmem:s14], [sflag:$0x2], $0x4000, $0x38;
	[tilespmem:$0x18100] =	vst v63  }
0x22: {  	_ =	swait.ge [sflag:s15], $0x4000  }
0x23: {  	[sflag:s15] =	ssyncset.done $0x0  }
0x24: {  	[sflag:s15] =	ssyncadd.s32 $0xFFFFC000  }
0x25: {  	[spmem:s6] =	stream.linear.scatter [tilespmem:s14], [sflag:$0x2], $0x4000, $0x38;
	[tilespmem:$0x18100] =	vst v63  }
0x26: {  	_ =	swait.ge [sflag:s15], $0x4000  }
0x27: {  	[sflag:s15] =	ssyncset.done $0x0  }
0x28: {  	[sflag:s15] =	ssyncadd.s32 $0xFFFFC000  }
0x29: {  	[spmem:s7] =	stream.linear.scatter [tilespmem:s14], [sflag:$0x2], $0x4000, $0x38;
	[tilespmem:$0x18100] =	vst v63  }
0x2a: {  	_ =	swait.ge [sflag:s15], $0x4000  }
0x2b: {  	[sflag:s15] =	ssyncset.done $0x0  }
0x2c: {  	[sflag:s15] =	ssyncadd.s32 $0xFFFFC000  }
0x2d: {  	[spmem:s8] =	stream.linear.scatter [tilespmem:s14], [sflag:$0x2], $0x4000, $0x38;
	[tilespmem:$0x18100] =	vst v63  }
0x2e: {  	_ =	swait.ge [sflag:s15], $0x4000  }
0x2f: {  	[sflag:s15] =	ssyncset.done $0x0  }
0x30: {  	[sflag:s15] =	ssyncadd.s32 $0xFFFFC000  }
0x31: {  	[spmem:s9] =	stream.linear.scatter [tilespmem:s14], [sflag:$0x2], $0x4000, $0x38;
	[tilespmem:$0x18100] =	vst v63  }
0x32: {  	_ =	swait.ge [sflag:s15], $0x4000  }
0x33: {  	[sflag:s15] =	ssyncset.done $0x0  }
0x34: {  	[sflag:s15] =	ssyncadd.s32 $0xFFFFC000  }
0x35: {  	s30 =	sadd.s32 $0x0, s13;
	[bflag:$0x0] =	sbarrier.arrive $0xFFFF  }
0x36: {  	[tilespmem:s4], [sflag:$0x2] =	stream.linear.gather [hbm4b:s30+s4], $0x80, $0x38;
	[tilespmem:$0x18100] =	vst v63  }
0x37: {  	_ =	swait.ge [sflag:s15], $0x80  }
0x38: {  	[sflag:s15] =	ssyncset.done $0x0  }
0x39: {  	s31 =	sadd.s32 $0x0, s12;
	[sflag:s15] =	ssyncadd.s32 $0xFFFFFF80  }
0x3a: {  	[tilespmem:s16], [sflag:$0x2] =	stream.linear.gather [hbm4b:s31+s4], $0x80, $0x38;
	[tilespmem:$0x18100] =	vst v63  }
0x3b: {  	_ =	swait.ge [sflag:s15], $0x80  }
0x3c: {  	[sflag:s15] =	ssyncset.done $0x0  }
0x3d: {  	[sflag:s15] =	ssyncadd.s32 $0xFFFFFF80  }
0x3e: {  	[tilespmem:s14], [sflag:$0x1] =	stream.indirect.gather [hbm4b:s1+s16], $0x80, s4, s16, $0xb8;
	[tilespmem:$0x18100] =	vst v63  }
0x3f: {  	_ =	swait.ge [sflag:s17], $0x4000  }
0x40: {  	[sflag:s17] =	ssyncset.done $0x0  }
0x41: {  	[sflag:s17] =	ssyncadd.s32 $0xFFFFC000  }
0x42: {  	[spmem:s3] =	stream.indirect.scatter.add.f32 [tilespmem:s14], [sflag:$0x2], $0x80, s16, s16, $0xb8;
	[tilespmem:$0x18100] =	vst v63  }
0x43: {  	_ =	swait.ge [sflag:s15], $0x4000  }
0x44: {  	s21 =	simm.s32 $0x10;
	s22 =	simm.s32 $0x20;
	[sflag:s15] =	ssyncset.done $0x0  }
.LBB2_4:
0x45: {  	s23 =	sadd.s32 s21, s13  }
0x46: {  	[sflag:s15] =	ssyncadd.s32 $0xFFFFC000;
	s24 =	smov.u32 s22;
	s25 =	sadd.s32 $0x10, s22  }
0x47: {  	[tilespmem:s4], [sflag:$0x2] =	stream.linear.gather [hbm4b:s23+s4], $0x80, $0x38;
	[tilespmem:$0x18100] =	vst v63  }
0x48: {  	p0 =	sne.s32 s22, $0x4E0;
	_ =	swait.ge [sflag:s15], $0x80  }
0x49: {  	[sflag:s15] =	ssyncset.done $0x0  }
0x4a: {  	s22 =	sadd.s32 s21, s12;
	s21 =	smov.u32 s24;
	[sflag:s15] =	ssyncadd.s32 $0xFFFFFF80  }
0x4b: {  	[tilespmem:s16], [sflag:$0x2] =	stream.linear.gather [hbm4b:s22+s4], $0x80, $0x38;
	[tilespmem:$0x18100] =	vst v63  }
0x4c: {  	_ =	swait.ge [sflag:s15], $0x80  }
0x4d: {  	[sflag:s15] =	ssyncset.done $0x0  }
0x4e: {  	[sflag:s15] =	ssyncadd.s32 $0xFFFFFF80  }
0x4f: {  	[tilespmem:s14], [sflag:$0x1] =	stream.indirect.gather [hbm4b:s1+s16], $0x80, s4, s16, $0xb8;
	[tilespmem:$0x18100] =	vst v63  }
0x50: {  	_ =	swait.ge [sflag:s17], $0x4000  }
.Ltmp1:
0x51: {  	[sflag:s17] =	ssyncset.done $0x0;
	(pc) =	sbr.rel @p0 .LBB2_4-.Ltmp1, $4  }
0x52: {  	[sflag:s17] =	ssyncadd.s32 $0xFFFFC000  }
0x53: {  	[spmem:s3] =	stream.indirect.scatter.add.f32 [tilespmem:s14], [sflag:$0x2], $0x80, s16, s16, $0xb8;
	[tilespmem:$0x18100] =	vst v63  }
0x54: {  	_ =	swait.ge [sflag:s15], $0x4000  }
0x55: {  	s22 =	smov.u32 s25;
	[sflag:s15] =	ssyncset.done $0x0  }
0x56: {  	s22 =	sadd.s32 s21, s13;
	[sflag:s15] =	ssyncadd.s32 $0xFFFFC000  }
0x57: {  	[tilespmem:s4], [sflag:$0x2] =	stream.linear.gather [hbm4b:s22+s4], $0x80, $0x38;
	[tilespmem:$0x18100] =	vst v63  }
0x58: {  	_ =	swait.ge [sflag:s15], $0x80  }
0x59: {  	[sflag:s15] =	ssyncset.done $0x0  }
0x5a: {  	s31 =	sadd.s32 s21, s12;
	[sflag:s15] =	ssyncadd.s32 $0xFFFFFF80  }
0x5b: {  	[tilespmem:s16], [sflag:$0x2] =	stream.linear.gather [hbm4b:s31+s4], $0x80, $0x38;
	[tilespmem:$0x18100] =	vst v63  }
0x5c: {  	_ =	swait.ge [sflag:s15], $0x80  }
0x5d: {  	[sflag:s15] =	ssyncset.done $0x0  }
0x5e: {  	[sflag:s15] =	ssyncadd.s32 $0xFFFFFF80  }
0x5f: {  	[tilespmem:s14], [sflag:$0x1] =	stream.indirect.gather [hbm4b:s1+s16], $0x80, s4, s16, $0xb8;
	[tilespmem:$0x18100] =	vst v63  }
0x60: {  	_ =	swait.ge [sflag:s17], $0x4000  }
0x61: {  	[sflag:s17] =	ssyncset.done $0x0  }
0x62: {  	[sflag:s17] =	ssyncadd.s32 $0xFFFFC000  }
0x63: {  	[spmem:s3] =	stream.indirect.scatter.add.f32 [tilespmem:s14], [sflag:$0x2], $0x80, s16, s16, $0xb8;
	[tilespmem:$0x18100] =	vst v63  }
0x64: {  	_ =	swait.ge [sflag:s15], $0x4000  }
0x65: {  	s20 =	sadd.s32 $0x1, s20;
	[sflag:s15] =	ssyncset.done $0x0  }
0x66: {  	p0 =	sne.s32 s20, s11;
	[sflag:s15] =	ssyncadd.s32 $0xFFFFC000  }
.Ltmp2:
0x67: {  	[bflag:$0x0] =	sbarrier.arrive $0xFFFF;
	(pc) =	sbr.rel @p0 .LBB2_1-.Ltmp2, $4  }
0x68: {  	[hbm:s10], [sflag:s18] =	dma.local [spmem:s19], $0x2800  }
0x69: {  	_ =	swait.ge [sflag:s15], $0x2800  }
0x6a: {  	[sflag:s15] =	ssyncset.done $0x0  }
0x6b: {  	[sflag:s15] =	ssyncadd.s32 $0xFFFFD800  }
0x6c: {  	_ =	sfence.sel $0x180000  }
0x6d: {  	[bflag:$0x0] =	sbarrier.arrive $0xFFFF  }
0x6e: {  	p0 =	sne.s32 s0, $0x0;
	_ =	strace $0x9000004A  }
0x6f: {  	s0 =	sadd.s32 @!p0 $0x100000, s2;
	[bflag:$0x2] =	sbarrier.arrive $0xFFFF  }
0x70: {  	[sflag:s0] =	ssyncadd.tile.s32 @!p0 $0x1;
	_ =	shalt  }
.Lfunc_end2:
_tile_overlayer_lowered:
.L_overlay_start_2:
0x71: {  	(tag) =	ssettag $0x2  }
0x72: {  	s0 =	rddreg [dreg:$0x0];
	s2 =	stileid.u32  }
0x73: {  	s1 =	rddreg [dreg:$0x1];
	p0 =	sne.s32 s2, $0x0  }
0x74: {  	s3 =	rddreg [dreg:$0x2];
	[bflag:$0x3] =	sbarrier.arrive $0xFFFF;
	s2 =	simm.s32 @!p0 $0x1C02  }
0x75: {  	[timem:s3], [sflag:s2] =	dma.local @!p0 [hbm:s0], s1  }
0x76: {  	s0 =	simm.s32 @!p0 $0x2  }
0x77: {  	_ =	swait.ge @!p0 [sflag:s0], s1  }
0x78: {  	s1 =	ssub.s32 @!p0 $0x0, s1;
	[sflag:s0] =	ssyncset.done @!p0 $0x0  }
0x79: {  	[sflag:s0] =	ssyncadd.s32 @!p0 s1  }
0x7a: {  	[bflag:$0x3] =	sbarrier.arrive $0xFFFF  }
0x7b: {  	_ =	shalt  }

// kernel: seg_sum.8.cloned.1.call-start
scs
__scs_entry_jumppad:
0x0: {  	(pc) =	sbr.rel $0x88, $3  }
0x1: {  	(tag) =	ssettag $0x0;
	lr =	simm.s32 $0x1  }
0x2: {  	[smem:$0x3F8B] =	sst lr;
	_ =	strace $0xD0000000  }
0x3: {  	_ = 	snop  }
0x4: {  	_ = 	snop  }
0x5: {  	_ = 	snop  }
0x6: {  	_ = 	snop  }
0x7: {  	_ = 	snop  }
__scs_overlays_trampoline_lowered:
0x8: {  	[smem:$0x3F9A] =	sst s0  }
0x9: {  	[smem:$0x3F9B] =	sst s1  }
0xa: {  	[smem:$0x3F9C] =	sst s2  }
0xb: {  	[smem:$0x3F9D] =	sst s3  }
0xc: {  	[smem:$0x3F9E] =	sst s4  }
0xd: {  	[smem:$0x3F9F] =	sst s5  }
0xe: {  	[smem:$0x3FA0] =	sst s6  }
0xf: {  	[smem:$0x3FA1] =	sst s7  }
0x10: {  	[smem:$0x3FA2] =	sst s8  }
0x11: {  	[smem:$0x3FA3] =	sst s9;
	s0 =	simm.s32 @!p0 $0x0  }
0x12: {  	s1 =	sld [smem:$0x3F89];
	s0 =	simm.s32 @p0 $0x1  }
0x13: {  	[smem:$0x3FA4] =	sst s0;
	s0 =	simm.s32 @!p1 $0x0  }
0x14: {  	s2 =	sld [smem:$0x3F88];
	s0 =	simm.s32 @p1 $0x1  }
0x15: {  	[smem:$0x3FA5] =	sst s0;
	s0 =	simm.s32 @!p2 $0x0  }
0x16: {  	s3 =	sld [smem:$0x3FDB];
	s0 =	simm.s32 @p2 $0x1  }
0x17: {  	s4 =	simm.s32 $0x1BF5;
	[smem:$0x3FA7] =	sst s0  }
0x18: {  	s0 =	sld [smem:$0x3F8A];
	_ =	swait.ge [sflag:s4], $0x0  }
0x19: {  	s7 =	sld [smem:$0x3F8B]  }
0x1a: {  	s8 =	sadd.s32 $0xFFFFE003, lr  }
0x1b: {  	s9 =	sadd.s32 $0xFFFFFEF7, lr;
	s5 =	simm.s32 $0xFFFFFFFF;
	p2 =	slt.u32 s8, $0xFFFFF086  }
0x1c: {  	p1 =	slt.u32 s9, $0xF7A;
	s5 =	simm.s32 @!p2 $0x0  }
0x1d: {  	s5 =	simm.s32 @p1 $0x1;
	p0 =	seq.s32 s7, s2  }
0x1e: {  	s7 =	smul.u32 @!p0 $0xF7A, s2;
	p2 =	seq.s32 @!p0 s5, $0x0  }
0x1f: {  	s9 =	smul.u32 $0xF7A, s1;
	s8 =	simm.s32 @!p0 $0x1BF5;
	p2 =	por !p2, p0  }
0x20: {  	[sflag:s8] =	ssyncset.s32 @!p0 $0xFFFFF086;
	s6 =	sadd.s32 @!p0 s3, s7;
	s7 =	simm.s32 @!p0 $0x108  }
0x21: {  	s3 =	sadd.s32 s3, s9;
	s6 =	sadd.s32 @!p0 $0x88, s6;
	s7 =	simm.s32 @p2 $0x1082  }
0x22: {  	[simem:s7], [sflag:s8] =	dma.local @!p0 [hbm:s6], $0xF7A  }
0x23: {  	s9 =	sor.u32 $0xD0000000, s2;
	s6 =	simm.s32 $0x108;
	_ =	swait.ge @!p0 [sflag:s8], $0x0  }
0x24: {  	s3 =	sadd.s32 $0x88, s3;
	s6 =	simm.s32 @!p1 $0x1082;
	[sflag:s4] =	ssyncset.s32 $0xFFFFF086  }
0x25: {  	[simem:s6], [sflag:s4] =	dma.local [hbm:s3], $0xF7A  }
0x26: {  	[smem:$0x3F8B] =	sst s1;
	(tag) =	ssettag s2;
	_ =	strace s9  }
0x27: {  	s1 =	sld [smem:$0x3F9B]  }
0x28: {  	s2 =	sld [smem:$0x3F9C]  }
0x29: {  	s4 =	sld [smem:$0x3F9E]  }
0x2a: {  	p0 =	seq.s32 s5, $0x0;
	s5 =	sld [smem:$0x3F9F]  }
0x2b: {  	s6 =	sld [smem:$0x3FA0]  }
0x2c: {  	s7 =	sld [smem:$0x3FA1]  }
0x2d: {  	s3 =	simm.s32 $0x108;
	s8 =	sld [smem:$0x3FA2]  }
0x2e: {  	s3 =	simm.s32 @!p0 $0x1082;
	s9 =	sld [smem:$0x3FA3]  }
0x2f: {  	lr =	sadd.s32 s0, s3;
	s0 =	sld [smem:$0x3F9A]  }
0x30: {  	s3 =	sld [smem:$0x3F9D]  }
0x31: {  	[smem:$0x3FA6] =	sst s10  }
0x32: {  	s10 =	sld [smem:$0x3FA4];
	_ =	sdelay $0x3  }
0x33: {  	p0 =	seq.s32 s10, $0x1;
	s10 =	sld [smem:$0x3FA6];
	_ =	sdelay $0x3  }
0x34: {  	[smem:$0x3FA6] =	sst s10  }
0x35: {  	s10 =	sld [smem:$0x3FA5];
	_ =	sdelay $0x3  }
0x36: {  	p1 =	seq.s32 s10, $0x1;
	s10 =	sld [smem:$0x3FA6];
	_ =	sdelay $0x3  }
0x37: {  	[smem:$0x3FA6] =	sst s10  }
0x38: {  	s10 =	sld [smem:$0x3FA7]  }
0x39: {  	_ = 	snop;
	(pc) =	sbr.ind lr, $3  }
0x3a: {  	_ = 	snop  }
0x3b: {  	_ = 	snop  }
0x3c: {  	p2 =	seq.s32 s10, $0x1;
	s10 =	sld [smem:$0x3FA6]  }
0x3d: {  	_ =	shalt  }
0x3e: {  	_ =	shalt  }
0x3f: {  	_ =	shalt  }
0x40: {  	_ =	shalt  }
0x41: {  	_ =	shalt  }
0x42: {  	_ =	shalt  }
0x43: {  	_ =	shalt  }
0x44: {  	_ =	shalt  }
0x45: {  	_ =	shalt  }
0x46: {  	_ =	shalt  }
0x47: {  	_ =	shalt  }
0x48: {  	_ =	shalt  }
0x49: {  	_ =	shalt  }
0x4a: {  	_ =	shalt  }
0x4b: {  	_ =	shalt  }
0x4c: {  	_ =	shalt  }
0x4d: {  	_ =	shalt  }
0x4e: {  	_ =	shalt  }
0x4f: {  	_ =	shalt  }
0x50: {  	_ =	shalt  }
0x51: {  	_ =	shalt  }
0x52: {  	_ =	shalt  }
0x53: {  	_ =	shalt  }
0x54: {  	_ =	shalt  }
0x55: {  	_ =	shalt  }
0x56: {  	_ =	shalt  }
0x57: {  	_ =	shalt  }
0x58: {  	_ =	shalt  }
0x59: {  	_ =	shalt  }
0x5a: {  	_ =	shalt  }
0x5b: {  	_ =	shalt  }
0x5c: {  	_ =	shalt  }
0x5d: {  	_ =	shalt  }
0x5e: {  	_ =	shalt  }
0x5f: {  	_ =	shalt  }
0x60: {  	_ =	shalt  }
0x61: {  	_ =	shalt  }
0x62: {  	_ =	shalt  }
0x63: {  	_ =	shalt  }
0x64: {  	_ =	shalt  }
0x65: {  	_ =	shalt  }
0x66: {  	_ =	shalt  }
0x67: {  	_ =	shalt  }
0x68: {  	_ =	shalt  }
0x69: {  	_ =	shalt  }
0x6a: {  	_ =	shalt  }
0x6b: {  	_ =	shalt  }
0x6c: {  	_ =	shalt  }
0x6d: {  	_ =	shalt  }
0x6e: {  	_ =	shalt  }
0x6f: {  	_ =	shalt  }
0x70: {  	_ =	shalt  }
0x71: {  	_ =	shalt  }
0x72: {  	_ =	shalt  }
0x73: {  	_ =	shalt  }
0x74: {  	_ =	shalt  }
0x75: {  	_ =	shalt  }
0x76: {  	_ =	shalt  }
0x77: {  	_ =	shalt  }
0x78: {  	_ =	shalt  }
0x79: {  	_ =	shalt  }
0x7a: {  	_ =	shalt  }
0x7b: {  	_ =	shalt  }
0x7c: {  	_ =	shalt  }
0x7d: {  	_ =	shalt  }
0x7e: {  	_ =	shalt  }
0x7f: {  	_ =	shalt  }
0x80: {  	_ =	shalt  }
0x81: {  	_ =	shalt  }
0x82: {  	_ =	shalt  }
0x83: {  	_ =	shalt  }
0x84: {  	_ =	shalt  }
0x85: {  	_ =	shalt  }
0x86: {  	_ =	shalt  }
0x87: {  	_ =	shalt  }
.Lfunc_end0:
.L_simem_size_0:
called_computation.2_lowered:
.L_overlay_start_0:
0x88: {  	s2 =	sld [smem:$0x3FD9]  }
0x89: {  	s3 =	sld [smem:$0x3FFE];
	_ =	sdelay $0x1  }
0x8a: {  	s1 =	srdreg.scid  }
0x8b: {  	s0 =	sand.u32 $0x1, s1  }
0x8c: {  	s16 =	sshll.u32 s0, $0xA;
	s2 =	sadd.s32 s3, s2  }
0x8d: {  	s2 =	sadd.s32 s2, s16  }
0x8e: {  	[smem:$0x3FB2] =	sst s2  }
0x8f: {  	_ = 	snop  }
0x90: {  	(tm) =	ssettm $0x1  }
0x91: {  	s17 =	sld [smem:$0x3FFB];
	_ =	sdelay $0x3  }
0x92: {  	_ =	strace s17  }
0x93: {  	s2 =	sld [smem:$0x3FFC];
	_ =	sdelay $0x3  }
0x94: {  	_ =	strace s2  }
0x95: {  	s2 =	sld [smem:$0x3FFD];
	_ =	sdelay $0x3  }
0x96: {  	_ =	strace s2  }
0x97: {  	_ =	strace $0x8FFFFFFF  }
0x98: {  	s18 =	sld [smem:$0x3FDB];
	_ =	sdelay $0x1  }
0x99: {  	s19 =	simm.s32 $_scs_section_size  }
0x9a: {  	s4 =	simm.s32 $_size__tile_overlayer_lowered;
	s5 =	simm.s32 $_tile_overlayer_lowered  }
0x9b: {  	s22 =	simm.s32 $0x1BFF;
	s21 =	sshll.u32 s5, $0x1;
	s2 =	sadd.s32 s19, s18  }
0x9c: {  	s6 =	simm.s32 $0x0;
	s20 =	sshll.u32 s4, $0x1;
	s4 =	sadd.s32 s21, s2  }
0x9d: {  	[timem:s6], [sflag:s22] =	dma.local [hbm:s4], s20  }
0x9e: {  	_ =	swait.ge [sflag:s22], s20  }
0x9f: {  	s3 =	ssub.s32 $0x0, s20;
	[sflag:s22] =	ssyncset.done $0x0  }
0xa0: {  	[sflag:s22] =	ssyncadd.s32 s3;
	_ =	sdelay $0x1  }
0xa1: {  	s23 =	simm.s32 $0x1B8B  }
0xa2: {  	_ =	swait.ge [sflag:s23], $0x1  }
0xa3: {  	[sflag:s23] =	ssyncset.done $0x0  }
0xa4: {  	s25 =	simm.s32 $0x1B8E;
	s24 =	sld [smem:$0x3FFE];
	[sflag:s23] =	ssyncadd.s32 $0xFFFFFFFF  }
0xa5: {  	s26 =	simm.s32 $execute0_lowered;
	[smem:$0x3FD2] =	sst s25  }
0xa6: {  	s4 =	sshll.u32 s26, $0x1;
	_ =	strace $0x8000004C;
	[dreg:$0x1] =	wrdreg $0xFFFFFFFF  }
0xa7: {  	s28 =	simm.s32 $_size_execute0_lowered;
	s2 =	sadd.s32 s2, s4;
	[dreg:$0x0] =	wrdreg $0x0  }
0xa8: {  	s4 =	sshll.u32 s28, $0x1;
	[dreg:$0x2] =	wrdreg s2  }
0xa9: {  	[dreg:$0x3] =	wrdreg s4  }
0xaa: {  	[dreg:$0x4] =	wrdreg $0xC0  }
0xab: {  	_ =	task [dreg:s6], $0x5FFFF  }
0xac: {  	[dreg:$0x1] =	wrdreg $0xFFFFFFFF  }
0xad: {  	[dreg:$0x0] =	wrdreg $0x60  }
0xae: {  	[dreg:$0x2] =	wrdreg s24  }
0xaf: {  	[dreg:$0x3] =	wrdreg $0x41000  }
0xb0: {  	[dreg:$0x4] =	wrdreg $0x9  }
0xb1: {  	_ =	task.clear_ibuf [dreg:s6], $0x5FFFF;
	_ =	strace $0x9000004C  }
0xb2: {  	s29 =	simm.s32 $0x9;
	_ =	strace $0x8000004E  }
0xb3: {  	_ =	swait.ge [sflag:s29], $0x1  }
0xb4: {  	[sflag:s29] =	ssyncadd.s32 $0xFFFFFFFF  }
0xb5: {  	_ =	strace $0x9000004E  }
0xb6: {  	_ =	sfence  }
0xb7: {  	s30 =	sld [smem:$0x0];
	_ =	sdelay $0x2  }
0xb8: {  	s31 =	sshll.u32 s1, $0xD;
	s1 =	sshrl.u32 s1, $0x2  }
0xb9: {  	s3 =	sand.u32 $0x4000, s31;
	s1 =	sadd.s32 s1, s30  }
0xba: {  	s0 =	sor.u32 s3, s0;
	s1 =	sshll.u32 s1, $0x11  }
0xbb: {  	s0 =	sor.u32 s1, s0  }
0xbc: {  	s0 =	sadd.s32 $0x8F2B, s0  }
0xbd: {  	[sflag:s0] =	ssyncadd.remote.s32 $0x1  }
0xbe: {  	_ =	sfence.sel $0xFFFF  }
0xbf: {  	[dreg:$0x0] =	wrdreg $0xFFFFFFFF;
	(pc) =	sbr.abs _section_cstart, $3  }
0xc0: {  	[dreg:$0x1] =	wrdreg $0xFFFFFFFF  }
0xc1: {  	_ =	task.clear_ibuf [dreg:s6], $0x2FFFF;
	_ =	strace $0x9FFFFFFF  }
0xc2: {  	(tm) =	ssettm $0x7FFFFFFF  }
0xc3: {  	_ =	shalt  }
tec
execute0_lowered:
.L_overlay_start_1:
0x0: {  	(tag) =	ssettag $0x1  }
0x1: {  	s5 =	rddreg [dreg:$0x0]  }
0x2: {  	s2 =	rddreg [dreg:$0x1]  }
0x3: {  	s0 =	rddreg [dreg:$0x2];
	s1 =	stileid.u32  }
0x4: {  	s4 =	srdreg.scid;
	s3 =	simm.s32 $0x0;
	s15 =	simm.s32 $0x2  }
0x5: {  	s16 =	simm.s32 $0x80;
	s17 =	simm.s32 $0x1;
	s6 =	smul.u32 $0x9E0, s1  }
0x6: {  	s20 =	simm.s32 $0x0;
	s7 =	sand.u32 $0x1, s4;
	s8 =	smul.u32 $0x2800, s1  }
0x7: {  	[smem:$0x7FF] =	sst s3;
	s10 =	smul.u32 $0x50000, s1;
	s4 =	sadd.s32 $0xDE00, s5  }
0x8: {  	s18 =	sshll.u32 s1, $0x6;
	s9 =	smul.u32 $0x28000, s7;
	_ =	strace $0x8000004D  }
0x9: {  	s28 =	ssub.s32 $0x2, s7;
	s31 =	smul.u32 $0x4F0, s7;
	s18 =	sor.u32 $0x1C02, s18  }
0xa: {  	s11 =	sadd.s32 s6, s5;
	s29 =	sshrl.u32 s10, $0x2;
	s30 =	sshrl.u32 s28, $0x1  }
0xb: {  	s26 =	sadd.s32 s8, s9;
	s13 =	ssub.s32 s28, s30;
	s14 =	sadd.s32 s31, s11  }
0xc: {  	s12 =	sadd.s32 s26, s5;
	s5 =	sadd.s32 s29, s2;
	s11 =	smax.u32 s13, $0x1  }
0xd: {  	s13 =	sadd.s32 $0x5DE00, s14;
	s6 =	sadd.s32 $0x4000, s5;
	s7 =	sadd.s32 $0x8000, s5  }
0xe: {  	s8 =	sadd.s32 $0xC000, s5;
	s9 =	sadd.s32 $0x10000, s5;
	s10 =	sadd.s32 $0x67C00, s12  }
0xf: {  	v0 =	vimm.f32 $0.0e+00;
	s12 =	sadd.s32 $0x4000, s14;
	s14 =	simm.s32 $0x100;
	s19 =	sshrl.u32 s5, $0x3  }
.LBB2_1:
0x10: {  	s21 =	simm.s32 $0x0;
	s22 =	simm.s32 $0x200  }
.LBB2_2:
0x11: {  	p0 =	sne.s32 s22, $0xFE00;
	[tilespmem:s21+$0x170] =	vst v0  }
0x12: {  	[tilespmem:s21+$0x100] =	vst v0  }
0x13: {  	[tilespmem:s21+$0x110] =	vst v0  }
.Ltmp0:
0x14: {  	[tilespmem:s21+$0x120] =	vst v0;
	(pc) =	sbr.rel @p0 .LBB2_2-.Ltmp0, $4  }
0x15: {  	[tilespmem:s21+$0x130] =	vst v0  }
0x16: {  	[tilespmem:s21+$0x140] =	vst v0  }
0x17: {  	[tilespmem:s21+$0x150] =	vst v0  }
0x18: {  	[tilespmem:s21+$0x160] =	vst v0;
	s21 =	sshra.s32 s22, $0x2;
	s22 =	sadd.s32 $0x200, s22  }
0x19: {  	[tilespmem:s21+$0x170] =	vst v0  }
0x1a: {  	[tilespmem:s21+$0x100] =	vst v0  }
0x1b: {  	[tilespmem:s21+$0x110] =	vst v0  }
0x1c: {  	[tilespmem:s21+$0x120] =	vst v0  }
0x1d: {  	[tilespmem:s21+$0x130] =	vst v0  }
0x1e: {  	[tilespmem:s21+$0x140] =	vst v0  }
0x1f: {  	[tilespmem:s21+$0x150] =	vst v0  }
0x20: {  	[tilespmem:s21+$0x160] =	vst v0  }
0x21: {  	[spmem:s5] =	stream.linear.scatter [tilespmem:s14], [sflag:$0x2], $0x4000, $0x38;
	[tilespmem:$0x18100] =	vst v63  }
0x22: {  	_ =	swait.ge [sflag:s15], $0x4000  }
0x23: {  	[sflag:s15] =	ssyncset.done $0x0  }
0x24: {  	[sflag:s15] =	ssyncadd.s32 $0xFFFFC000  }
0x25: {  	[spmem:s6] =	stream.linear.scatter [tilespmem:s14], [sflag:$0x2], $0x4000, $0x38;
	[tilespmem:$0x18100] =	vst v63  }
0x26: {  	_ =	swait.ge [sflag:s15], $0x4000  }
0x27: {  	[sflag:s15] =	ssyncset.done $0x0  }
0x28: {  	[sflag:s15] =	ssyncadd.s32 $0xFFFFC000  }
0x29: {  	[spmem:s7] =	stream.linear.scatter [tilespmem:s14], [sflag:$0x2], $0x4000, $0x38;
	[tilespmem:$0x18100] =	vst v63  }
0x2a: {  	_ =	swait.ge [sflag:s15], $0x4000  }
0x2b: {  	[sflag:s15] =	ssyncset.done $0x0  }
0x2c: {  	[sflag:s15] =	ssyncadd.s32 $0xFFFFC000  }
0x2d: {  	[spmem:s8] =	stream.linear.scatter [tilespmem:s14], [sflag:$0x2], $0x4000, $0x38;
	[tilespmem:$0x18100] =	vst v63  }
0x2e: {  	_ =	swait.ge [sflag:s15], $0x4000  }
0x2f: {  	[sflag:s15] =	ssyncset.done $0x0  }
0x30: {  	[sflag:s15] =	ssyncadd.s32 $0xFFFFC000  }
0x31: {  	[spmem:s9] =	stream.linear.scatter [tilespmem:s14], [sflag:$0x2], $0x4000, $0x38;
	[tilespmem:$0x18100] =	vst v63  }
0x32: {  	_ =	swait.ge [sflag:s15], $0x4000  }
0x33: {  	[sflag:s15] =	ssyncset.done $0x0  }
0x34: {  	[sflag:s15] =	ssyncadd.s32 $0xFFFFC000  }
0x35: {  	s30 =	sadd.s32 $0x0, s13;
	[bflag:$0x0] =	sbarrier.arrive $0xFFFF  }
0x36: {  	[tilespmem:s3], [sflag:$0x2] =	stream.linear.gather [hbm4b:s30+s3], $0x80, $0x38;
	[tilespmem:$0x18100] =	vst v63  }
0x37: {  	_ =	swait.ge [sflag:s15], $0x80  }
0x38: {  	[sflag:s15] =	ssyncset.done $0x0  }
0x39: {  	s31 =	sadd.s32 $0x0, s12;
	[sflag:s15] =	ssyncadd.s32 $0xFFFFFF80  }
0x3a: {  	[tilespmem:s16], [sflag:$0x2] =	stream.linear.gather [hbm4b:s31+s3], $0x80, $0x38;
	[tilespmem:$0x18100] =	vst v63  }
0x3b: {  	_ =	swait.ge [sflag:s15], $0x80  }
0x3c: {  	[sflag:s15] =	ssyncset.done $0x0  }
0x3d: {  	[sflag:s15] =	ssyncadd.s32 $0xFFFFFF80  }
0x3e: {  	[tilespmem:s14], [sflag:$0x1] =	stream.indirect.gather [hbm4b:s4+s16], $0x80, s3, s16, $0xb8;
	[tilespmem:$0x18100] =	vst v63  }
0x3f: {  	_ =	swait.ge [sflag:s17], $0x4000  }
0x40: {  	[sflag:s17] =	ssyncset.done $0x0  }
0x41: {  	[sflag:s17] =	ssyncadd.s32 $0xFFFFC000  }
0x42: {  	[spmem:s2] =	stream.indirect.scatter.add.f32 [tilespmem:s14], [sflag:$0x2], $0x80, s16, s16, $0xb8;
	[tilespmem:$0x18100] =	vst v63  }
0x43: {  	_ =	swait.ge [sflag:s15], $0x4000  }
0x44: {  	s21 =	simm.s32 $0x10;
	s22 =	simm.s32 $0x20;
	[sflag:s15] =	ssyncset.done $0x0  }
.LBB2_4:
0x45: {  	s23 =	sadd.s32 s21, s13  }
0x46: {  	[sflag:s15] =	ssyncadd.s32 $0xFFFFC000;
	s24 =	smov.u32 s22;
	s25 =	sadd.s32 $0x10, s22  }
0x47: {  	[tilespmem:s3], [sflag:$0x2] =	stream.linear.gather [hbm4b:s23+s3], $0x80, $0x38;
	[tilespmem:$0x18100] =	vst v63  }
0x48: {  	p0 =	sne.s32 s22, $0x4E0;
	_ =	swait.ge [sflag:s15], $0x80  }
0x49: {  	[sflag:s15] =	ssyncset.done $0x0  }
0x4a: {  	s22 =	sadd.s32 s21, s12;
	s21 =	smov.u32 s24;
	[sflag:s15] =	ssyncadd.s32 $0xFFFFFF80  }
0x4b: {  	[tilespmem:s16], [sflag:$0x2] =	stream.linear.gather [hbm4b:s22+s3], $0x80, $0x38;
	[tilespmem:$0x18100] =	vst v63  }
0x4c: {  	_ =	swait.ge [sflag:s15], $0x80  }
0x4d: {  	[sflag:s15] =	ssyncset.done $0x0  }
0x4e: {  	[sflag:s15] =	ssyncadd.s32 $0xFFFFFF80  }
0x4f: {  	[tilespmem:s14], [sflag:$0x1] =	stream.indirect.gather [hbm4b:s4+s16], $0x80, s3, s16, $0xb8;
	[tilespmem:$0x18100] =	vst v63  }
0x50: {  	_ =	swait.ge [sflag:s17], $0x4000  }
.Ltmp1:
0x51: {  	[sflag:s17] =	ssyncset.done $0x0;
	(pc) =	sbr.rel @p0 .LBB2_4-.Ltmp1, $4  }
0x52: {  	[sflag:s17] =	ssyncadd.s32 $0xFFFFC000  }
0x53: {  	[spmem:s2] =	stream.indirect.scatter.add.f32 [tilespmem:s14], [sflag:$0x2], $0x80, s16, s16, $0xb8;
	[tilespmem:$0x18100] =	vst v63  }
0x54: {  	_ =	swait.ge [sflag:s15], $0x4000  }
0x55: {  	s22 =	smov.u32 s25;
	[sflag:s15] =	ssyncset.done $0x0  }
0x56: {  	s22 =	sadd.s32 s21, s13;
	[sflag:s15] =	ssyncadd.s32 $0xFFFFC000  }
0x57: {  	[tilespmem:s3], [sflag:$0x2] =	stream.linear.gather [hbm4b:s22+s3], $0x80, $0x38;
	[tilespmem:$0x18100] =	vst v63  }
0x58: {  	_ =	swait.ge [sflag:s15], $0x80  }
0x59: {  	[sflag:s15] =	ssyncset.done $0x0  }
0x5a: {  	s31 =	sadd.s32 s21, s12;
	[sflag:s15] =	ssyncadd.s32 $0xFFFFFF80  }
0x5b: {  	[tilespmem:s16], [sflag:$0x2] =	stream.linear.gather [hbm4b:s31+s3], $0x80, $0x38;
	[tilespmem:$0x18100] =	vst v63  }
0x5c: {  	_ =	swait.ge [sflag:s15], $0x80  }
0x5d: {  	[sflag:s15] =	ssyncset.done $0x0  }
0x5e: {  	[sflag:s15] =	ssyncadd.s32 $0xFFFFFF80  }
0x5f: {  	[tilespmem:s14], [sflag:$0x1] =	stream.indirect.gather [hbm4b:s4+s16], $0x80, s3, s16, $0xb8;
	[tilespmem:$0x18100] =	vst v63  }
0x60: {  	_ =	swait.ge [sflag:s17], $0x4000  }
0x61: {  	[sflag:s17] =	ssyncset.done $0x0  }
0x62: {  	[sflag:s17] =	ssyncadd.s32 $0xFFFFC000  }
0x63: {  	[spmem:s2] =	stream.indirect.scatter.add.f32 [tilespmem:s14], [sflag:$0x2], $0x80, s16, s16, $0xb8;
	[tilespmem:$0x18100] =	vst v63  }
0x64: {  	_ =	swait.ge [sflag:s15], $0x4000  }
0x65: {  	s20 =	sadd.s32 $0x1, s20;
	[sflag:s15] =	ssyncset.done $0x0  }
0x66: {  	p0 =	sne.s32 s20, s11;
	[sflag:s15] =	ssyncadd.s32 $0xFFFFC000  }
.Ltmp2:
0x67: {  	[bflag:$0x0] =	sbarrier.arrive $0xFFFF;
	(pc) =	sbr.rel @p0 .LBB2_1-.Ltmp2, $4  }
0x68: {  	[hbm:s10], [sflag:s18] =	dma.local [spmem:s19], $0x2800  }
0x69: {  	_ =	swait.ge [sflag:s15], $0x2800  }
0x6a: {  	[sflag:s15] =	ssyncset.done $0x0  }
0x6b: {  	[sflag:s15] =	ssyncadd.s32 $0xFFFFD800  }
0x6c: {  	_ =	sfence.sel $0x180000  }
0x6d: {  	[bflag:$0x0] =	sbarrier.arrive $0xFFFF  }
0x6e: {  	p0 =	sne.s32 s1, $0x0;
	_ =	strace $0x9000004D  }
0x6f: {  	s0 =	sadd.s32 @!p0 $0x100000, s0;
	[bflag:$0x2] =	sbarrier.arrive $0xFFFF  }
0x70: {  	[sflag:s0] =	ssyncadd.tile.s32 @!p0 $0x1;
	_ =	shalt  }
.Lfunc_end2:
_tile_overlayer_lowered:
.L_overlay_start_2:
0x71: {  	(tag) =	ssettag $0x2  }
0x72: {  	s0 =	rddreg [dreg:$0x0];
	s2 =	stileid.u32  }
0x73: {  	s1 =	rddreg [dreg:$0x1];
	p0 =	sne.s32 s2, $0x0  }
0x74: {  	s3 =	rddreg [dreg:$0x2];
	[bflag:$0x3] =	sbarrier.arrive $0xFFFF;
	s2 =	simm.s32 @!p0 $0x1C02  }
0x75: {  	[timem:s3], [sflag:s2] =	dma.local @!p0 [hbm:s0], s1  }
0x76: {  	s0 =	simm.s32 @!p0 $0x2  }
0x77: {  	_ =	swait.ge @!p0 [sflag:s0], s1  }
0x78: {  	s1 =	ssub.s32 @!p0 $0x0, s1;
	[sflag:s0] =	ssyncset.done @!p0 $0x0  }
0x79: {  	[sflag:s0] =	ssyncadd.s32 @!p0 s1  }
0x7a: {  	[bflag:$0x3] =	sbarrier.arrive $0xFFFF  }
0x7b: {  	_ =	shalt  }

</sc_bundles>
